<compile_context>
chip_gen: v7x
topology: tpu7x:2x2x1
jax: 0.10.2.dev20260603
libtpu: 0.0.44.dev20260713+nightly
codegen_flags: <defaults>
</compile_context>

<pallas_src>
import jax
import jax.numpy as jnp
from jax import lax
from jax.experimental import pallas as pl
from jax.experimental.pallas import tpu as pltpu
from jax.experimental.pallas import tpu_sc as plsc

N = 10000
D = 2
H = 64
E = 320000

NC = 2
NS = 16
L = 16
NW = NC * NS

C = 2000
NCH = E // C
NSUB = E // (NW * C)
CPT = (D * H) // NW

_i32 = jnp.int32
_f32 = jnp.float32


def _mesh():
    return plsc.VectorSubcoreMesh(
        core_axis_name="c", subcore_axis_name="s", num_cores=NC, num_subcores=NS
    )


def _tanh(z):
    e = jnp.exp(2.0 * z)
    return 1.0 - 2.0 / (e + 1.0)


def _dinv_rows(dinv):
    return jnp.concatenate(
        [jnp.broadcast_to(dinv[0:1, :], (H, N)),
         jnp.broadcast_to(dinv[1:2, :], (H, N))], axis=0)


def _dense_body(xt_ref, wpqt_ref, wbigt_ref, pqt_ref, nxwt_ref):
    xt = xt_ref[...]
    pqt_ref[...] = jnp.dot(wpqt_ref[...], xt, preferred_element_type=_f32)
    nxwt_ref[...] = -jnp.dot(wbigt_ref[...], xt, preferred_element_type=_f32)


def _pass1_body(pq_hbm, src_hbm, dst_hbm, zeros_hbm,
                deg_hbm, prod_hbm,
                pq_v, src_v, dst_v, prv, deg_v):
    c = lax.axis_index("c")
    s = lax.axis_index("s")
    wid = c * NS + s

    pltpu.sync_copy(pq_hbm, pq_v)
    pltpu.sync_copy(zeros_hbm.at[pl.ds(0, 2 * N)], deg_v)

    @pl.loop(0, NSUB)
    def _sub(j):
        ch = wid * NSUB + j
        pltpu.sync_copy(src_hbm.at[ch], src_v)
        pltpu.sync_copy(dst_hbm.at[ch], dst_v)

        @pl.loop(0, C // L)
        def _grp(i):
            off = i * L
            sv = src_v[pl.ds(off, L)]
            dv = dst_v[pl.ds(off, L)]
            p0 = plsc.load_gather(pq_v, [sv])
            p1 = plsc.load_gather(pq_v, [sv + N])
            p2 = plsc.load_gather(pq_v, [sv + 2 * N])
            p3 = plsc.load_gather(pq_v, [sv + 3 * N])
            q0 = plsc.load_gather(pq_v, [dv + 4 * N])
            q1 = plsc.load_gather(pq_v, [dv + 5 * N])
            q2 = plsc.load_gather(pq_v, [dv + 6 * N])
            q3 = plsc.load_gather(pq_v, [dv + 7 * N])
            fs0 = _tanh(p0 + q0)
            fs1 = _tanh(p1 + q1)
            fd0 = _tanh(p2 + q2)
            fd1 = _tanh(p3 + q3)
            prv[pl.ds(off, L)] = -(fs0 * fd0)
            prv[pl.ds(C + off, L)] = -(fs1 * fd1)
            plsc.addupdate_scatter(deg_v, [sv], fs0 * fs0)
            plsc.addupdate_scatter(deg_v, [sv + N], fs1 * fs1)
            plsc.addupdate_scatter(deg_v, [dv], fd0 * fd0)
            plsc.addupdate_scatter(deg_v, [dv + N], fd1 * fd1)

        pltpu.sync_copy(prv, prod_hbm.at[ch])

    pltpu.sync_copy(deg_v, deg_hbm.at[wid])


def _dinv_body(degp_ref, nxwt_ref, dinv_ref, nxwdt_ref):
    dsum = jnp.sum(degp_ref[...], axis=0) + 1e-6
    dinv = lax.rsqrt(dsum)
    dinv_ref[...] = dinv
    nxwdt_ref[...] = nxwt_ref[...] * _dinv_rows(dinv)


def _pass2_body(tbl_hbm, src_hbm, dst_hbm, prod_hbm, zeros_hbm,
                acct_hbm,
                tbl_v, acc_v, src_v, dst_v, np_v):
    c = lax.axis_index("c")
    s = lax.axis_index("s")
    wid = c * NS + s

    pltpu.sync_copy(tbl_hbm.at[wid], tbl_v)
    pltpu.sync_copy(zeros_hbm, acc_v)

    @pl.loop(0, NCH)
    def _chunk(ch):
        pltpu.sync_copy(src_hbm.at[ch], src_v)
        pltpu.sync_copy(dst_hbm.at[ch], dst_v)
        pltpu.sync_copy(prod_hbm.at[ch * 2 + c], np_v)

        @pl.loop(0, C // L)
        def _grp(i):
            off = i * L
            sv = src_v[pl.ds(off, L)]
            dv = dst_v[pl.ds(off, L)]
            npv = np_v[pl.ds(off, L)]
            for cc in range(CPT):
                gv = plsc.load_gather(tbl_v, [dv + cc * N])
                plsc.addupdate_scatter(acc_v, [sv + cc * N], gv * npv)

    pltpu.sync_copy(acc_v, acct_hbm.at[wid])


def _final_body(acc_ref, nxwt_ref, dinv_ref, yt_ref):
    yt_ref[...] = nxwt_ref[...] + acc_ref[...] * _dinv_rows(dinv_ref[...])


def kernel(t, x, edge_index, W_sheaf, W_left, W_right):
    x128t = x.reshape(N, D * H).T
    src = edge_index[0].astype(_i32).reshape(NCH, C)
    dst = edge_index[1].astype(_i32).reshape(NCH, C)

    wpqt = jnp.concatenate(
        [W_sheaf[: D * H, :].T, W_sheaf[D * H :, :].T], axis=0)
    wbigt = jnp.kron(W_left, W_right)
    zeros4n = jnp.zeros((CPT * N,), dtype=_f32)

    pqt, nxwt = pl.pallas_call(
        _dense_body,
        out_shape=[
            jax.ShapeDtypeStruct((2 * D * D, N), _f32),
            jax.ShapeDtypeStruct((D * H, N), _f32),
        ],
    )(x128t, wpqt, wbigt)

    pass1 = pl.kernel(
        _pass1_body,
        out_type=[
            jax.ShapeDtypeStruct((NW, 2 * N), _f32),
            jax.ShapeDtypeStruct((NCH, 2 * C), _f32),
        ],
        mesh=_mesh(),
        scratch_types=[
            pltpu.VMEM((2 * D * D * N,), _f32),
            pltpu.VMEM((C,), _i32),
            pltpu.VMEM((C,), _i32),
            pltpu.VMEM((2 * C,), _f32),
            pltpu.VMEM((2 * N,), _f32),
        ],
        compiler_params=pltpu.CompilerParams(needs_layout_passes=False),
    )
    degp, prod = pass1(pqt.reshape(-1), src, dst, zeros4n)

    dinv, nxwdt = pl.pallas_call(
        _dinv_body,
        out_shape=[
            jax.ShapeDtypeStruct((D, N), _f32),
            jax.ShapeDtypeStruct((D * H, N), _f32),
        ],
    )(degp.reshape(NW, D, N), nxwt)

    pass2 = pl.kernel(
        _pass2_body,
        out_type=jax.ShapeDtypeStruct((NW, CPT * N), _f32),
        mesh=_mesh(),
        scratch_types=[
            pltpu.VMEM((CPT * N,), _f32),
            pltpu.VMEM((CPT * N,), _f32),
            pltpu.VMEM((C,), _i32),
            pltpu.VMEM((C,), _i32),
            pltpu.VMEM((C,), _f32),
        ],
        compiler_params=pltpu.CompilerParams(needs_layout_passes=False),
    )
    acct = pass2(nxwdt.reshape(NW, CPT * N), src, dst,
                 prod.reshape(NCH * 2, C), zeros4n)

    yt = pl.pallas_call(
        _final_body,
        out_shape=jax.ShapeDtypeStruct((D * H, N), _f32),
    )(acct.reshape(D * H, N), nxwt, dinv)
    return yt.T.reshape(N * D, H)

# --- scband reference (transcript-rebuilt; emitter-appended) ---
"""Pipeline reference for scband-laplacian-odefunc-9174050144891 (READ-ONLY COPY).

The authoritative reference and input builder live on the scoring server;
editing this copy changes nothing except your own understanding.
"""

import jax, jax.numpy as jnp
import numpy as np

N = 10000   # graph_size
D = 2       # stalk dimension d
H = 64      # hidden_channels
E = 320000  # number of directed edges


def setup_inputs(seed: int = 0) -> dict:
    key = jax.random.key(seed)
    k1, k2, k3, k4, k5 = jax.random.split(key, 5)
    t = jnp.zeros((1,), dtype=jnp.float32)
    x = jax.random.normal(k1, (N * D, H), dtype=jnp.float32)
    edge_index = jax.random.randint(k2, (2, E), 0, N, dtype=jnp.int64)
    # Learned parameters:
    # sheaf_learner: linear map cat(x_src, x_dst)[2*D*H] -> 2*D diagonal restriction maps
    W_sheaf = jax.random.normal(k3, (2 * D * H, 2 * D), dtype=jnp.float32) * 0.05
    # lin_left_weights: nn.Linear(d, d, bias=False)
    W_left = jax.random.normal(k4, (D, D), dtype=jnp.float32) * 0.5
    # lin_right_weights: nn.Linear(hidden, hidden, bias=False)
    W_right = jax.random.normal(k5, (H, H), dtype=jnp.float32) * 0.1
    return {"t": t, "x": x, "edge_index": edge_index,
            "W_sheaf": W_sheaf, "W_left": W_left, "W_right": W_right}


def reference(t, x, edge_index, W_sheaf, W_left, W_right):
    src = edge_index[0]
    dst = edge_index[1]

    # --- sheaf_learner(x_maps, edge_index): diagonal restriction maps per edge ---
    x_maps = x.reshape(N, D * H)
    h_cat = jnp.concatenate([jnp.take(x_maps, src, axis=0),
                             jnp.take(x_maps, dst, axis=0)], axis=-1)  # [E, 2*D*H]
    maps = jnp.tanh(h_cat @ W_sheaf)          # [E, 2*D]
    F_src = maps[:, :D]                        # restriction map F_{src -> e}
    F_dst = maps[:, D:]                        # restriction map F_{dst -> e}

    # --- laplacian_builder(maps): normalized diagonal sheaf Laplacian (COO) ---
    deg = jnp.zeros((N, D), dtype=x.dtype)
    deg = deg.at[src].add(F_src ** 2)
    deg = deg.at[dst].add(F_dst ** 2)
    deg = deg + 1e-6
    dinv = 1.0 / jnp.sqrt(deg)                 # D^{-1/2} per node per stalk channel

    off_vals = -(F_src * jnp.take(dinv, src, axis=0)) * (F_dst * jnp.take(dinv, dst, axis=0))  # [E, D]
    ar = jnp.arange(D)
    rows = (src[:, None] * D + ar[None, :]).reshape(-1)
    cols = (dst[:, None] * D + ar[None, :]).reshape(-1)
    vals = off_vals.reshape(-1)
    # normalized diagonal blocks are identity
    diag_idx = jnp.arange(N * D)
    rows_all = jnp.concatenate([rows, diag_idx])
    cols_all = jnp.concatenate([cols, diag_idx])
    vals_all = jnp.concatenate([vals, jnp.ones(N * D, dtype=x.dtype)])

    # --- left weights: x.t().reshape(-1, d) @ W_left^T, reshape back ---
    xw = (x.T.reshape(-1, D) @ W_left.T).reshape(-1, N * D).T  # [N*D, H]
    # --- right weights ---
    xw = xw @ W_right.T

    # --- torch_sparse.spmm(L[0], L[1], n, n, -x) : y = L @ (-x) ---
    neg_x = -xw
    gathered = jnp.take(neg_x, cols_all, axis=0) * vals_all[:, None]
    y = jax.ops.segment_sum(gathered, rows_all, num_segments=N * D)
    return y

if __name__ == "__main__":
    import jax
    _d = setup_inputs()
    print(jax.jit(kernel)(*tuple(_d.values())))

</pallas_src>

<mosaic_0001>
#map = affine_map<(d0, d1) -> (0)>
#map1 = affine_map<(d0, d1) -> (0, 0)>
module attributes {stable_mosaic.version = 14 : i64} {
  func.func @_pass1_body(%arg0: i32, %arg1: i32, %arg2: memref<80000xf32, #tpu.memory_space<hbm>>, %arg3: memref<160x2000xi32, #tpu.memory_space<hbm>>, %arg4: memref<160x2000xi32, #tpu.memory_space<hbm>>, %arg5: memref<40000xf32, #tpu.memory_space<hbm>>, %arg6: memref<32x20000xf32, #tpu.memory_space<hbm>>, %arg7: memref<160x4000xf32, #tpu.memory_space<hbm>>, %arg8: memref<80000xf32, #tpu.memory_space<vmem>>, %arg9: memref<2000xi32, #tpu.memory_space<vmem>>, %arg10: memref<2000xi32, #tpu.memory_space<vmem>>, %arg11: memref<4000xf32, #tpu.memory_space<vmem>>, %arg12: memref<20000xf32, #tpu.memory_space<vmem>>) attributes {dimension_semantics = [#tpu.dimension_semantics<core_parallel>, #tpu.dimension_semantics<subcore_parallel>], iteration_bounds = array<i64: 2, 16>, scalar_prefetch = 0 : i64, scratch_operands = 5 : i64, tpu.core_type = #tpu.core_type<sc_vector_subcore>, window_params = [{transform_indices = #map}, {transform_indices = #map1}, {transform_indices = #map1}, {transform_indices = #map}, {transform_indices = #map1}, {transform_indices = #map1}]} {
    %mul3A = arith.constant 16 : i32
    %mul3A_0 = arith.muli %arg0, %mul3A : i32
    %add3A = arith.addi %mul3A_0, %arg1 : i32
    "tpu.region"() ({
      %run_scoped3A = tpu.sem_alloc : memref<!tpu.dma_semaphore, #tpu.memory_space<semaphore_mem>>
      tpu.enqueue_dma source(%arg2 : memref<80000xf32, #tpu.memory_space<hbm>>) target(%arg8 : memref<80000xf32, #tpu.memory_space<vmem>>) target_semaphore(%run_scoped3A : memref<!tpu.dma_semaphore, #tpu.memory_space<semaphore_mem>>)
      tpu.wait_dma2 semaphore(%run_scoped3A : memref<!tpu.dma_semaphore, #tpu.memory_space<semaphore_mem>>) src(%arg2 : memref<80000xf32, #tpu.memory_space<hbm>>) dst(%arg8 : memref<80000xf32, #tpu.memory_space<vmem>>)
      tpu.yield
    }) : () -> ()
    "tpu.region"() ({
      %run_scoped3A = tpu.sem_alloc : memref<!tpu.dma_semaphore, #tpu.memory_space<semaphore_mem>>
      %dma_start3A = arith.constant 0 : i32
      %dma_start3A_5 = tpu.memref_slice %arg5[%dma_start3A] : memref<40000xf32, #tpu.memory_space<hbm>> -> memref<20000xf32, #tpu.memory_space<hbm>>
      %dma_start3A_6 = arith.constant 0 : i32
      %dma_start3A_7 = tpu.memref_slice %arg5[%dma_start3A_6] : memref<40000xf32, #tpu.memory_space<hbm>> -> memref<20000xf32, #tpu.memory_space<hbm>>
      tpu.enqueue_dma source(%dma_start3A_7 : memref<20000xf32, #tpu.memory_space<hbm>>) target(%arg12 : memref<20000xf32, #tpu.memory_space<vmem>>) target_semaphore(%run_scoped3A : memref<!tpu.dma_semaphore, #tpu.memory_space<semaphore_mem>>)
      %dma_wait3A = arith.constant 0 : i32
      %dma_wait3A_8 = tpu.memref_slice %arg5[%dma_wait3A] : memref<40000xf32, #tpu.memory_space<hbm>> -> memref<20000xf32, #tpu.memory_space<hbm>>
      %dma_wait3A_9 = arith.constant 0 : i32
      %dma_wait3A_10 = tpu.memref_slice %arg5[%dma_wait3A_9] : memref<40000xf32, #tpu.memory_space<hbm>> -> memref<20000xf32, #tpu.memory_space<hbm>>
      tpu.wait_dma2 semaphore(%run_scoped3A : memref<!tpu.dma_semaphore, #tpu.memory_space<semaphore_mem>>) src(%dma_wait3A_10 : memref<20000xf32, #tpu.memory_space<hbm>>) dst(%arg12 : memref<20000xf32, #tpu.memory_space<vmem>>)
      tpu.yield
    }) : () -> ()
    %scan3A = arith.constant 0 : i32
    %scan3A_1 = arith.constant 5 : i32
    %scan3A_2 = arith.addi %scan3A, %scan3A_1 : i32
    %scan3A_3 = arith.constant 1 : i32
    scf.for %scan3A_5 = %scan3A to %scan3A_2 step %scan3A_3  : i32 {
      %mul3A_6 = arith.constant 1 : i32
      %mul3A_7 = arith.muli %scan3A_5, %mul3A_6 : i32
      %add3A_8 = arith.constant 0 : i32
      %add3A_9 = arith.addi %add3A_8, %mul3A_7 : i32
      %mul3A_10 = arith.constant 5 : i32
      %mul3A_11 = arith.muli %add3A, %mul3A_10 : i32
      %add3A_12 = arith.addi %mul3A_11, %add3A_9 : i32
      "tpu.region"() ({
        %run_scoped3A = tpu.sem_alloc : memref<!tpu.dma_semaphore, #tpu.memory_space<semaphore_mem>>
        %dma_start3A = arith.constant 0 : i32
        %dma_start3A_18 = tpu.memref_slice %arg3[%add3A_12, %dma_start3A] : memref<160x2000xi32, #tpu.memory_space<hbm>> -> memref<1x2000xi32, #tpu.memory_space<hbm>>
        %dma_start3A_19 = tpu.memref_squeeze %dma_start3A_18 : memref<1x2000xi32, #tpu.memory_space<hbm>> -> memref<2000xi32, #tpu.memory_space<hbm>>
        %dma_start3A_20 = arith.constant 0 : i32
        %dma_start3A_21 = tpu.memref_slice %arg3[%add3A_12, %dma_start3A_20] : memref<160x2000xi32, #tpu.memory_space<hbm>> -> memref<1x2000xi32, #tpu.memory_space<hbm>>
        %dma_start3A_22 = tpu.memref_squeeze %dma_start3A_21 : memref<1x2000xi32, #tpu.memory_space<hbm>> -> memref<2000xi32, #tpu.memory_space<hbm>>
        tpu.enqueue_dma source(%dma_start3A_22 : memref<2000xi32, #tpu.memory_space<hbm>>) target(%arg9 : memref<2000xi32, #tpu.memory_space<vmem>>) target_semaphore(%run_scoped3A : memref<!tpu.dma_semaphore, #tpu.memory_space<semaphore_mem>>)
        %dma_wait3A = arith.constant 0 : i32
        %dma_wait3A_23 = tpu.memref_slice %arg3[%add3A_12, %dma_wait3A] : memref<160x2000xi32, #tpu.memory_space<hbm>> -> memref<1x2000xi32, #tpu.memory_space<hbm>>
        %dma_wait3A_24 = tpu.memref_squeeze %dma_wait3A_23 : memref<1x2000xi32, #tpu.memory_space<hbm>> -> memref<2000xi32, #tpu.memory_space<hbm>>
        %dma_wait3A_25 = arith.constant 0 : i32
        %dma_wait3A_26 = tpu.memref_slice %arg3[%add3A_12, %dma_wait3A_25] : memref<160x2000xi32, #tpu.memory_space<hbm>> -> memref<1x2000xi32, #tpu.memory_space<hbm>>
        %dma_wait3A_27 = tpu.memref_squeeze %dma_wait3A_26 : memref<1x2000xi32, #tpu.memory_space<hbm>> -> memref<2000xi32, #tpu.memory_space<hbm>>
        tpu.wait_dma2 semaphore(%run_scoped3A : memref<!tpu.dma_semaphore, #tpu.memory_space<semaphore_mem>>) src(%dma_wait3A_27 : memref<2000xi32, #tpu.memory_space<hbm>>) dst(%arg9 : memref<2000xi32, #tpu.memory_space<vmem>>)
        tpu.yield
      }) : () -> ()
      "tpu.region"() ({
        %run_scoped3A = tpu.sem_alloc : memref<!tpu.dma_semaphore, #tpu.memory_space<semaphore_mem>>
        %dma_start3A = arith.constant 0 : i32
        %dma_start3A_18 = tpu.memref_slice %arg4[%add3A_12, %dma_start3A] : memref<160x2000xi32, #tpu.memory_space<hbm>> -> memref<1x2000xi32, #tpu.memory_space<hbm>>
        %dma_start3A_19 = tpu.memref_squeeze %dma_start3A_18 : memref<1x2000xi32, #tpu.memory_space<hbm>> -> memref<2000xi32, #tpu.memory_space<hbm>>
        %dma_start3A_20 = arith.constant 0 : i32
        %dma_start3A_21 = tpu.memref_slice %arg4[%add3A_12, %dma_start3A_20] : memref<160x2000xi32, #tpu.memory_space<hbm>> -> memref<1x2000xi32, #tpu.memory_space<hbm>>
        %dma_start3A_22 = tpu.memref_squeeze %dma_start3A_21 : memref<1x2000xi32, #tpu.memory_space<hbm>> -> memref<2000xi32, #tpu.memory_space<hbm>>
        tpu.enqueue_dma source(%dma_start3A_22 : memref<2000xi32, #tpu.memory_space<hbm>>) target(%arg10 : memref<2000xi32, #tpu.memory_space<vmem>>) target_semaphore(%run_scoped3A : memref<!tpu.dma_semaphore, #tpu.memory_space<semaphore_mem>>)
        %dma_wait3A = arith.constant 0 : i32
        %dma_wait3A_23 = tpu.memref_slice %arg4[%add3A_12, %dma_wait3A] : memref<160x2000xi32, #tpu.memory_space<hbm>> -> memref<1x2000xi32, #tpu.memory_space<hbm>>
        %dma_wait3A_24 = tpu.memref_squeeze %dma_wait3A_23 : memref<1x2000xi32, #tpu.memory_space<hbm>> -> memref<2000xi32, #tpu.memory_space<hbm>>
        %dma_wait3A_25 = arith.constant 0 : i32
        %dma_wait3A_26 = tpu.memref_slice %arg4[%add3A_12, %dma_wait3A_25] : memref<160x2000xi32, #tpu.memory_space<hbm>> -> memref<1x2000xi32, #tpu.memory_space<hbm>>
        %dma_wait3A_27 = tpu.memref_squeeze %dma_wait3A_26 : memref<1x2000xi32, #tpu.memory_space<hbm>> -> memref<2000xi32, #tpu.memory_space<hbm>>
        tpu.wait_dma2 semaphore(%run_scoped3A : memref<!tpu.dma_semaphore, #tpu.memory_space<semaphore_mem>>) src(%dma_wait3A_27 : memref<2000xi32, #tpu.memory_space<hbm>>) dst(%arg10 : memref<2000xi32, #tpu.memory_space<vmem>>)
        tpu.yield
      }) : () -> ()
      %scan3A_13 = arith.constant 0 : i32
      %scan3A_14 = arith.constant 125 : i32
      %scan3A_15 = arith.addi %scan3A_13, %scan3A_14 : i32
      %scan3A_16 = arith.constant 1 : i32
      scf.for %scan3A_18 = %scan3A_13 to %scan3A_15 step %scan3A_16  : i32 {
        %mul3A_19 = arith.constant 1 : i32
        %mul3A_20 = arith.muli %scan3A_18, %mul3A_19 : i32
        %add3A_21 = arith.constant 0 : i32
        %add3A_22 = arith.addi %add3A_21, %mul3A_20 : i32
        %mul3A_23 = arith.constant 16 : i32
        %mul3A_24 = arith.muli %add3A_22, %mul3A_23 : i32
        %get3A = arith.index_cast %mul3A_24 : i32 to index
        %get3A_25 = tpu.vector_load %arg9[%get3A] {strides = array<i32>} : memref<2000xi32, #tpu.memory_space<vmem>>, vector<16xi32>,
        %get3A_26 = arith.index_cast %mul3A_24 : i32 to index
        %get3A_27 = tpu.vector_load %arg10[%get3A_26] {strides = array<i32>} : memref<2000xi32, #tpu.memory_space<vmem>>, vector<16xi32>,
        %gather3A = tpu.vector_load_idx %arg8[%get3A_25] : memref<80000xf32, #tpu.memory_space<vmem>>[vector<16xi32>], vector<16xf32>,
        %add3A_28 = arith.constant 10000 : i32
        %add3A_29 = vector.broadcast %add3A_28 : i32 to vector<16xi32>
        %add3A_30 = arith.addi %get3A_25, %add3A_29 : vector<16xi32>
        %gather3A_31 = tpu.vector_load_idx %arg8[%add3A_30] : memref<80000xf32, #tpu.memory_space<vmem>>[vector<16xi32>], vector<16xf32>,
        %add3A_32 = arith.constant 20000 : i32
        %add3A_33 = vector.broadcast %add3A_32 : i32 to vector<16xi32>
        %add3A_34 = arith.addi %get3A_25, %add3A_33 : vector<16xi32>
        %gather3A_35 = tpu.vector_load_idx %arg8[%add3A_34] : memref<80000xf32, #tpu.memory_space<vmem>>[vector<16xi32>], vector<16xf32>,
        %add3A_36 = arith.constant 30000 : i32
        %add3A_37 = vector.broadcast %add3A_36 : i32 to vector<16xi32>
        %add3A_38 = arith.addi %get3A_25, %add3A_37 : vector<16xi32>
        %gather3A_39 = tpu.vector_load_idx %arg8[%add3A_38] : memref<80000xf32, #tpu.memory_space<vmem>>[vector<16xi32>], vector<16xf32>,
        %add3A_40 = arith.constant 40000 : i32
        %add3A_41 = vector.broadcast %add3A_40 : i32 to vector<16xi32>
        %add3A_42 = arith.addi %get3A_27, %add3A_41 : vector<16xi32>
        %gather3A_43 = tpu.vector_load_idx %arg8[%add3A_42] : memref<80000xf32, #tpu.memory_space<vmem>>[vector<16xi32>], vector<16xf32>,
        %add3A_44 = arith.constant 50000 : i32
        %add3A_45 = vector.broadcast %add3A_44 : i32 to vector<16xi32>
        %add3A_46 = arith.addi %get3A_27, %add3A_45 : vector<16xi32>
        %gather3A_47 = tpu.vector_load_idx %arg8[%add3A_46] : memref<80000xf32, #tpu.memory_space<vmem>>[vector<16xi32>], vector<16xf32>,
        %add3A_48 = arith.constant 60000 : i32
        %add3A_49 = vector.broadcast %add3A_48 : i32 to vector<16xi32>
        %add3A_50 = arith.addi %get3A_27, %add3A_49 : vector<16xi32>
        %gather3A_51 = tpu.vector_load_idx %arg8[%add3A_50] : memref<80000xf32, #tpu.memory_space<vmem>>[vector<16xi32>], vector<16xf32>,
        %add3A_52 = arith.constant 70000 : i32
        %add3A_53 = vector.broadcast %add3A_52 : i32 to vector<16xi32>
        %add3A_54 = arith.addi %get3A_27, %add3A_53 : vector<16xi32>
        %gather3A_55 = tpu.vector_load_idx %arg8[%add3A_54] : memref<80000xf32, #tpu.memory_space<vmem>>[vector<16xi32>], vector<16xf32>,
        %add3A_56 = arith.addf %gather3A, %gather3A_43 : vector<16xf32>
        %mul3A_57 = arith.constant 2.000000e+00 : f32
        %mul3A_58 = vector.broadcast %mul3A_57 : f32 to vector<16xf32>
        %mul3A_59 = arith.mulf %mul3A_58, %add3A_56 : vector<16xf32>
        %exp3A = math.exp %mul3A_59 : vector<16xf32>
        %add3A_60 = arith.constant 1.000000e+00 : f32
        %add3A_61 = vector.broadcast %add3A_60 : f32 to vector<16xf32>
        %add3A_62 = arith.addf %exp3A, %add3A_61 : vector<16xf32>
        %div3A = arith.constant 2.000000e+00 : f32
        %div3A_63 = vector.broadcast %div3A : f32 to vector<16xf32>
        %div3A_64 = arith.divf %div3A_63, %add3A_62 : vector<16xf32>
        %sub3A = arith.constant 1.000000e+00 : f32
        %sub3A_65 = vector.broadcast %sub3A : f32 to vector<16xf32>
        %sub3A_66 = arith.subf %sub3A_65, %div3A_64 : vector<16xf32>
        %add3A_67 = arith.addf %gather3A_31, %gather3A_47 : vector<16xf32>
        %mul3A_68 = arith.constant 2.000000e+00 : f32
        %mul3A_69 = vector.broadcast %mul3A_68 : f32 to vector<16xf32>
        %mul3A_70 = arith.mulf %mul3A_69, %add3A_67 : vector<16xf32>
        %exp3A_71 = math.exp %mul3A_70 : vector<16xf32>
        %add3A_72 = arith.constant 1.000000e+00 : f32
        %add3A_73 = vector.broadcast %add3A_72 : f32 to vector<16xf32>
        %add3A_74 = arith.addf %exp3A_71, %add3A_73 : vector<16xf32>
        %div3A_75 = arith.constant 2.000000e+00 : f32
        %div3A_76 = vector.broadcast %div3A_75 : f32 to vector<16xf32>
        %div3A_77 = arith.divf %div3A_76, %add3A_74 : vector<16xf32>
        %sub3A_78 = arith.constant 1.000000e+00 : f32
        %sub3A_79 = vector.broadcast %sub3A_78 : f32 to vector<16xf32>
        %sub3A_80 = arith.subf %sub3A_79, %div3A_77 : vector<16xf32>
        %add3A_81 = arith.addf %gather3A_35, %gather3A_51 : vector<16xf32>
        %mul3A_82 = arith.constant 2.000000e+00 : f32
        %mul3A_83 = vector.broadcast %mul3A_82 : f32 to vector<16xf32>
        %mul3A_84 = arith.mulf %mul3A_83, %add3A_81 : vector<16xf32>
        %exp3A_85 = math.exp %mul3A_84 : vector<16xf32>
        %add3A_86 = arith.constant 1.000000e+00 : f32
        %add3A_87 = vector.broadcast %add3A_86 : f32 to vector<16xf32>
        %add3A_88 = arith.addf %exp3A_85, %add3A_87 : vector<16xf32>
        %div3A_89 = arith.constant 2.000000e+00 : f32
        %div3A_90 = vector.broadcast %div3A_89 : f32 to vector<16xf32>
        %div3A_91 = arith.divf %div3A_90, %add3A_88 : vector<16xf32>
        %sub3A_92 = arith.constant 1.000000e+00 : f32
        %sub3A_93 = vector.broadcast %sub3A_92 : f32 to vector<16xf32>
        %sub3A_94 = arith.subf %sub3A_93, %div3A_91 : vector<16xf32>
        %add3A_95 = arith.addf %gather3A_39, %gather3A_55 : vector<16xf32>
        %mul3A_96 = arith.constant 2.000000e+00 : f32
        %mul3A_97 = vector.broadcast %mul3A_96 : f32 to vector<16xf32>
        %mul3A_98 = arith.mulf %mul3A_97, %add3A_95 : vector<16xf32>
        %exp3A_99 = math.exp %mul3A_98 : vector<16xf32>
        %add3A_100 = arith.constant 1.000000e+00 : f32
        %add3A_101 = vector.broadcast %add3A_100 : f32 to vector<16xf32>
        %add3A_102 = arith.addf %exp3A_99, %add3A_101 : vector<16xf32>
        %div3A_103 = arith.constant 2.000000e+00 : f32
        %div3A_104 = vector.broadcast %div3A_103 : f32 to vector<16xf32>
        %div3A_105 = arith.divf %div3A_104, %add3A_102 : vector<16xf32>
        %sub3A_106 = arith.constant 1.000000e+00 : f32
        %sub3A_107 = vector.broadcast %sub3A_106 : f32 to vector<16xf32>
        %sub3A_108 = arith.subf %sub3A_107, %div3A_105 : vector<16xf32>
        %mul3A_109 = arith.mulf %sub3A_66, %sub3A_94 : vector<16xf32>
        %neg3A = arith.constant 0.000000e+00 : f32
        %neg3A_110 = vector.broadcast %neg3A : f32 to vector<16xf32>
        %neg3A_111 = arith.subf %neg3A_110, %mul3A_109 : vector<16xf32>
        %swap3A = arith.index_cast %mul3A_24 : i32 to index
        %swap3A_112 = tpu.vector_load %arg11[%swap3A] {strides = array<i32>} : memref<4000xf32, #tpu.memory_space<vmem>>, vector<16xf32>,
        tpu.vector_store %arg11[%swap3A], %neg3A_111 {strides = array<i32>} : memref<4000xf32, #tpu.memory_space<vmem>>, vector<16xf32>,
        %mul3A_113 = arith.mulf %sub3A_80, %sub3A_108 : vector<16xf32>
        %neg3A_114 = arith.constant 0.000000e+00 : f32
        %neg3A_115 = vector.broadcast %neg3A_114 : f32 to vector<16xf32>
        %neg3A_116 = arith.subf %neg3A_115, %mul3A_113 : vector<16xf32>
        %add3A_117 = arith.constant 2000 : i32
        %add3A_118 = arith.addi %add3A_117, %mul3A_24 : i32
        %swap3A_119 = arith.index_cast %add3A_118 : i32 to index
        %swap3A_120 = tpu.vector_load %arg11[%swap3A_119] {strides = array<i32>} : memref<4000xf32, #tpu.memory_space<vmem>>, vector<16xf32>,
        tpu.vector_store %arg11[%swap3A_119], %neg3A_116 {strides = array<i32>} : memref<4000xf32, #tpu.memory_space<vmem>>, vector<16xf32>,
        %mul3A_121 = arith.mulf %sub3A_66, %sub3A_66 : vector<16xf32>
        tpu.vector_store_idx %arg12[%get3A_25], %mul3A_121 {add = true} : memref<20000xf32, #tpu.memory_space<vmem>>[vector<16xi32>], vector<16xf32>,
        %add3A_122 = arith.constant 10000 : i32
        %add3A_123 = vector.broadcast %add3A_122 : i32 to vector<16xi32>
        %add3A_124 = arith.addi %get3A_25, %add3A_123 : vector<16xi32>
        %mul3A_125 = arith.mulf %sub3A_80, %sub3A_80 : vector<16xf32>
        tpu.vector_store_idx %arg12[%add3A_124], %mul3A_125 {add = true} : memref<20000xf32, #tpu.memory_space<vmem>>[vector<16xi32>], vector<16xf32>,
        %mul3A_126 = arith.mulf %sub3A_94, %sub3A_94 : vector<16xf32>
        tpu.vector_store_idx %arg12[%get3A_27], %mul3A_126 {add = true} : memref<20000xf32, #tpu.memory_space<vmem>>[vector<16xi32>], vector<16xf32>,
        %add3A_127 = arith.constant 10000 : i32
        %add3A_128 = vector.broadcast %add3A_127 : i32 to vector<16xi32>
        %add3A_129 = arith.addi %get3A_27, %add3A_128 : vector<16xi32>
        %mul3A_130 = arith.mulf %sub3A_108, %sub3A_108 : vector<16xf32>
        tpu.vector_store_idx %arg12[%add3A_129], %mul3A_130 {add = true} : memref<20000xf32, #tpu.memory_space<vmem>>[vector<16xi32>], vector<16xf32>,
      }
      %scan3A_17 = arith.constant 125 : i32
      "tpu.region"() ({
        %run_scoped3A = tpu.sem_alloc : memref<!tpu.dma_semaphore, #tpu.memory_space<semaphore_mem>>
        %dma_start3A = arith.constant 0 : i32
        %dma_start3A_18 = tpu.memref_slice %arg7[%add3A_12, %dma_start3A] : memref<160x4000xf32, #tpu.memory_space<hbm>> -> memref<1x4000xf32, #tpu.memory_space<hbm>>
        %dma_start3A_19 = tpu.memref_squeeze %dma_start3A_18 : memref<1x4000xf32, #tpu.memory_space<hbm>> -> memref<4000xf32, #tpu.memory_space<hbm>>
        %dma_start3A_20 = arith.constant 0 : i32
        %dma_start3A_21 = tpu.memref_slice %arg7[%add3A_12, %dma_start3A_20] : memref<160x4000xf32, #tpu.memory_space<hbm>> -> memref<1x4000xf32, #tpu.memory_space<hbm>>
        %dma_start3A_22 = tpu.memref_squeeze %dma_start3A_21 : memref<1x4000xf32, #tpu.memory_space<hbm>> -> memref<4000xf32, #tpu.memory_space<hbm>>
        tpu.enqueue_dma source(%arg11 : memref<4000xf32, #tpu.memory_space<vmem>>) target(%dma_start3A_22 : memref<4000xf32, #tpu.memory_space<hbm>>) target_semaphore(%run_scoped3A : memref<!tpu.dma_semaphore, #tpu.memory_space<semaphore_mem>>)
        %dma_wait3A = arith.constant 0 : i32
        %dma_wait3A_23 = tpu.memref_slice %arg7[%add3A_12, %dma_wait3A] : memref<160x4000xf32, #tpu.memory_space<hbm>> -> memref<1x4000xf32, #tpu.memory_space<hbm>>
        %dma_wait3A_24 = tpu.memref_squeeze %dma_wait3A_23 : memref<1x4000xf32, #tpu.memory_space<hbm>> -> memref<4000xf32, #tpu.memory_space<hbm>>
        %dma_wait3A_25 = arith.constant 0 : i32
        %dma_wait3A_26 = tpu.memref_slice %arg7[%add3A_12, %dma_wait3A_25] : memref<160x4000xf32, #tpu.memory_space<hbm>> -> memref<1x4000xf32, #tpu.memory_space<hbm>>
        %dma_wait3A_27 = tpu.memref_squeeze %dma_wait3A_26 : memref<1x4000xf32, #tpu.memory_space<hbm>> -> memref<4000xf32, #tpu.memory_space<hbm>>
        tpu.wait_dma2 semaphore(%run_scoped3A : memref<!tpu.dma_semaphore, #tpu.memory_space<semaphore_mem>>) src(%arg11 : memref<4000xf32, #tpu.memory_space<vmem>>) dst(%dma_wait3A_27 : memref<4000xf32, #tpu.memory_space<hbm>>)
        tpu.yield
      }) : () -> ()
    }
    %scan3A_4 = arith.constant 5 : i32
    "tpu.region"() ({
      %run_scoped3A = tpu.sem_alloc : memref<!tpu.dma_semaphore, #tpu.memory_space<semaphore_mem>>
      %dma_start3A = arith.constant 0 : i32
      %dma_start3A_5 = tpu.memref_slice %arg6[%add3A, %dma_start3A] : memref<32x20000xf32, #tpu.memory_space<hbm>> -> memref<1x20000xf32, #tpu.memory_space<hbm>>
      %dma_start3A_6 = tpu.memref_squeeze %dma_start3A_5 : memref<1x20000xf32, #tpu.memory_space<hbm>> -> memref<20000xf32, #tpu.memory_space<hbm>>
      %dma_start3A_7 = arith.constant 0 : i32
      %dma_start3A_8 = tpu.memref_slice %arg6[%add3A, %dma_start3A_7] : memref<32x20000xf32, #tpu.memory_space<hbm>> -> memref<1x20000xf32, #tpu.memory_space<hbm>>
      %dma_start3A_9 = tpu.memref_squeeze %dma_start3A_8 : memref<1x20000xf32, #tpu.memory_space<hbm>> -> memref<20000xf32, #tpu.memory_space<hbm>>
      tpu.enqueue_dma source(%arg12 : memref<20000xf32, #tpu.memory_space<vmem>>) target(%dma_start3A_9 : memref<20000xf32, #tpu.memory_space<hbm>>) target_semaphore(%run_scoped3A : memref<!tpu.dma_semaphore, #tpu.memory_space<semaphore_mem>>)
      %dma_wait3A = arith.constant 0 : i32
      %dma_wait3A_10 = tpu.memref_slice %arg6[%add3A, %dma_wait3A] : memref<32x20000xf32, #tpu.memory_space<hbm>> -> memref<1x20000xf32, #tpu.memory_space<hbm>>
      %dma_wait3A_11 = tpu.memref_squeeze %dma_wait3A_10 : memref<1x20000xf32, #tpu.memory_space<hbm>> -> memref<20000xf32, #tpu.memory_space<hbm>>
      %dma_wait3A_12 = arith.constant 0 : i32
      %dma_wait3A_13 = tpu.memref_slice %arg6[%add3A, %dma_wait3A_12] : memref<32x20000xf32, #tpu.memory_space<hbm>> -> memref<1x20000xf32, #tpu.memory_space<hbm>>
      %dma_wait3A_14 = tpu.memref_squeeze %dma_wait3A_13 : memref<1x20000xf32, #tpu.memory_space<hbm>> -> memref<20000xf32, #tpu.memory_space<hbm>>
      tpu.wait_dma2 semaphore(%run_scoped3A : memref<!tpu.dma_semaphore, #tpu.memory_space<semaphore_mem>>) src(%arg12 : memref<20000xf32, #tpu.memory_space<vmem>>) dst(%dma_wait3A_14 : memref<20000xf32, #tpu.memory_space<hbm>>)
      tpu.yield
    }) : () -> ()
    return
  }
}

#map = affine_map<(d0, d1) -> (0, 0)>
#map1 = affine_map<(d0, d1) -> (0)>
module attributes {stable_mosaic.version = 14 : i64} {
  func.func @_pass2_body(%arg0: i32, %arg1: i32, %arg2: memref<32x40000xf32, #tpu.memory_space<hbm>>, %arg3: memref<160x2000xi32, #tpu.memory_space<hbm>>, %arg4: memref<160x2000xi32, #tpu.memory_space<hbm>>, %arg5: memref<320x2000xf32, #tpu.memory_space<hbm>>, %arg6: memref<40000xf32, #tpu.memory_space<hbm>>, %arg7: memref<32x40000xf32, #tpu.memory_space<hbm>>, %arg8: memref<40000xf32, #tpu.memory_space<vmem>>, %arg9: memref<40000xf32, #tpu.memory_space<vmem>>, %arg10: memref<2000xi32, #tpu.memory_space<vmem>>, %arg11: memref<2000xi32, #tpu.memory_space<vmem>>, %arg12: memref<2000xf32, #tpu.memory_space<vmem>>) attributes {dimension_semantics = [#tpu.dimension_semantics<core_parallel>, #tpu.dimension_semantics<subcore_parallel>], iteration_bounds = array<i64: 2, 16>, scalar_prefetch = 0 : i64, scratch_operands = 5 : i64, tpu.core_type = #tpu.core_type<sc_vector_subcore>, window_params = [{transform_indices = #map}, {transform_indices = #map}, {transform_indices = #map}, {transform_indices = #map}, {transform_indices = #map1}, {transform_indices = #map}]} {
    %mul3A = arith.constant 16 : i32
    %mul3A_0 = arith.muli %arg0, %mul3A : i32
    %add3A = arith.addi %mul3A_0, %arg1 : i32
    "tpu.region"() ({
      %run_scoped3A = tpu.sem_alloc : memref<!tpu.dma_semaphore, #tpu.memory_space<semaphore_mem>>
      %dma_start3A = arith.constant 0 : i32
      %dma_start3A_5 = tpu.memref_slice %arg2[%add3A, %dma_start3A] : memref<32x40000xf32, #tpu.memory_space<hbm>> -> memref<1x40000xf32, #tpu.memory_space<hbm>>
      %dma_start3A_6 = tpu.memref_squeeze %dma_start3A_5 : memref<1x40000xf32, #tpu.memory_space<hbm>> -> memref<40000xf32, #tpu.memory_space<hbm>>
      %dma_start3A_7 = arith.constant 0 : i32
      %dma_start3A_8 = tpu.memref_slice %arg2[%add3A, %dma_start3A_7] : memref<32x40000xf32, #tpu.memory_space<hbm>> -> memref<1x40000xf32, #tpu.memory_space<hbm>>
      %dma_start3A_9 = tpu.memref_squeeze %dma_start3A_8 : memref<1x40000xf32, #tpu.memory_space<hbm>> -> memref<40000xf32, #tpu.memory_space<hbm>>
      tpu.enqueue_dma source(%dma_start3A_9 : memref<40000xf32, #tpu.memory_space<hbm>>) target(%arg8 : memref<40000xf32, #tpu.memory_space<vmem>>) target_semaphore(%run_scoped3A : memref<!tpu.dma_semaphore, #tpu.memory_space<semaphore_mem>>)
      %dma_wait3A = arith.constant 0 : i32
      %dma_wait3A_10 = tpu.memref_slice %arg2[%add3A, %dma_wait3A] : memref<32x40000xf32, #tpu.memory_space<hbm>> -> memref<1x40000xf32, #tpu.memory_space<hbm>>
      %dma_wait3A_11 = tpu.memref_squeeze %dma_wait3A_10 : memref<1x40000xf32, #tpu.memory_space<hbm>> -> memref<40000xf32, #tpu.memory_space<hbm>>
      %dma_wait3A_12 = arith.constant 0 : i32
      %dma_wait3A_13 = tpu.memref_slice %arg2[%add3A, %dma_wait3A_12] : memref<32x40000xf32, #tpu.memory_space<hbm>> -> memref<1x40000xf32, #tpu.memory_space<hbm>>
      %dma_wait3A_14 = tpu.memref_squeeze %dma_wait3A_13 : memref<1x40000xf32, #tpu.memory_space<hbm>> -> memref<40000xf32, #tpu.memory_space<hbm>>
      tpu.wait_dma2 semaphore(%run_scoped3A : memref<!tpu.dma_semaphore, #tpu.memory_space<semaphore_mem>>) src(%dma_wait3A_14 : memref<40000xf32, #tpu.memory_space<hbm>>) dst(%arg8 : memref<40000xf32, #tpu.memory_space<vmem>>)
      tpu.yield
    }) : () -> ()
    "tpu.region"() ({
      %run_scoped3A = tpu.sem_alloc : memref<!tpu.dma_semaphore, #tpu.memory_space<semaphore_mem>>
      tpu.enqueue_dma source(%arg6 : memref<40000xf32, #tpu.memory_space<hbm>>) target(%arg9 : memref<40000xf32, #tpu.memory_space<vmem>>) target_semaphore(%run_scoped3A : memref<!tpu.dma_semaphore, #tpu.memory_space<semaphore_mem>>)
      tpu.wait_dma2 semaphore(%run_scoped3A : memref<!tpu.dma_semaphore, #tpu.memory_space<semaphore_mem>>) src(%arg6 : memref<40000xf32, #tpu.memory_space<hbm>>) dst(%arg9 : memref<40000xf32, #tpu.memory_space<vmem>>)
      tpu.yield
    }) : () -> ()
    %scan3A = arith.constant 0 : i32
    %scan3A_1 = arith.constant 160 : i32
    %scan3A_2 = arith.addi %scan3A, %scan3A_1 : i32
    %scan3A_3 = arith.constant 1 : i32
    scf.for %scan3A_5 = %scan3A to %scan3A_2 step %scan3A_3  : i32 {
      %mul3A_6 = arith.constant 1 : i32
      %mul3A_7 = arith.muli %scan3A_5, %mul3A_6 : i32
      %add3A_8 = arith.constant 0 : i32
      %add3A_9 = arith.addi %add3A_8, %mul3A_7 : i32
      "tpu.region"() ({
        %run_scoped3A = tpu.sem_alloc : memref<!tpu.dma_semaphore, #tpu.memory_space<semaphore_mem>>
        %dma_start3A = arith.constant 0 : i32
        %dma_start3A_18 = tpu.memref_slice %arg3[%add3A_9, %dma_start3A] : memref<160x2000xi32, #tpu.memory_space<hbm>> -> memref<1x2000xi32, #tpu.memory_space<hbm>>
        %dma_start3A_19 = tpu.memref_squeeze %dma_start3A_18 : memref<1x2000xi32, #tpu.memory_space<hbm>> -> memref<2000xi32, #tpu.memory_space<hbm>>
        %dma_start3A_20 = arith.constant 0 : i32
        %dma_start3A_21 = tpu.memref_slice %arg3[%add3A_9, %dma_start3A_20] : memref<160x2000xi32, #tpu.memory_space<hbm>> -> memref<1x2000xi32, #tpu.memory_space<hbm>>
        %dma_start3A_22 = tpu.memref_squeeze %dma_start3A_21 : memref<1x2000xi32, #tpu.memory_space<hbm>> -> memref<2000xi32, #tpu.memory_space<hbm>>
        tpu.enqueue_dma source(%dma_start3A_22 : memref<2000xi32, #tpu.memory_space<hbm>>) target(%arg10 : memref<2000xi32, #tpu.memory_space<vmem>>) target_semaphore(%run_scoped3A : memref<!tpu.dma_semaphore, #tpu.memory_space<semaphore_mem>>)
        %dma_wait3A = arith.constant 0 : i32
        %dma_wait3A_23 = tpu.memref_slice %arg3[%add3A_9, %dma_wait3A] : memref<160x2000xi32, #tpu.memory_space<hbm>> -> memref<1x2000xi32, #tpu.memory_space<hbm>>
        %dma_wait3A_24 = tpu.memref_squeeze %dma_wait3A_23 : memref<1x2000xi32, #tpu.memory_space<hbm>> -> memref<2000xi32, #tpu.memory_space<hbm>>
        %dma_wait3A_25 = arith.constant 0 : i32
        %dma_wait3A_26 = tpu.memref_slice %arg3[%add3A_9, %dma_wait3A_25] : memref<160x2000xi32, #tpu.memory_space<hbm>> -> memref<1x2000xi32, #tpu.memory_space<hbm>>
        %dma_wait3A_27 = tpu.memref_squeeze %dma_wait3A_26 : memref<1x2000xi32, #tpu.memory_space<hbm>> -> memref<2000xi32, #tpu.memory_space<hbm>>
        tpu.wait_dma2 semaphore(%run_scoped3A : memref<!tpu.dma_semaphore, #tpu.memory_space<semaphore_mem>>) src(%dma_wait3A_27 : memref<2000xi32, #tpu.memory_space<hbm>>) dst(%arg10 : memref<2000xi32, #tpu.memory_space<vmem>>)
        tpu.yield
      }) : () -> ()
      "tpu.region"() ({
        %run_scoped3A = tpu.sem_alloc : memref<!tpu.dma_semaphore, #tpu.memory_space<semaphore_mem>>
        %dma_start3A = arith.constant 0 : i32
        %dma_start3A_18 = tpu.memref_slice %arg4[%add3A_9, %dma_start3A] : memref<160x2000xi32, #tpu.memory_space<hbm>> -> memref<1x2000xi32, #tpu.memory_space<hbm>>
        %dma_start3A_19 = tpu.memref_squeeze %dma_start3A_18 : memref<1x2000xi32, #tpu.memory_space<hbm>> -> memref<2000xi32, #tpu.memory_space<hbm>>
        %dma_start3A_20 = arith.constant 0 : i32
        %dma_start3A_21 = tpu.memref_slice %arg4[%add3A_9, %dma_start3A_20] : memref<160x2000xi32, #tpu.memory_space<hbm>> -> memref<1x2000xi32, #tpu.memory_space<hbm>>
        %dma_start3A_22 = tpu.memref_squeeze %dma_start3A_21 : memref<1x2000xi32, #tpu.memory_space<hbm>> -> memref<2000xi32, #tpu.memory_space<hbm>>
        tpu.enqueue_dma source(%dma_start3A_22 : memref<2000xi32, #tpu.memory_space<hbm>>) target(%arg11 : memref<2000xi32, #tpu.memory_space<vmem>>) target_semaphore(%run_scoped3A : memref<!tpu.dma_semaphore, #tpu.memory_space<semaphore_mem>>)
        %dma_wait3A = arith.constant 0 : i32
        %dma_wait3A_23 = tpu.memref_slice %arg4[%add3A_9, %dma_wait3A] : memref<160x2000xi32, #tpu.memory_space<hbm>> -> memref<1x2000xi32, #tpu.memory_space<hbm>>
        %dma_wait3A_24 = tpu.memref_squeeze %dma_wait3A_23 : memref<1x2000xi32, #tpu.memory_space<hbm>> -> memref<2000xi32, #tpu.memory_space<hbm>>
        %dma_wait3A_25 = arith.constant 0 : i32
        %dma_wait3A_26 = tpu.memref_slice %arg4[%add3A_9, %dma_wait3A_25] : memref<160x2000xi32, #tpu.memory_space<hbm>> -> memref<1x2000xi32, #tpu.memory_space<hbm>>
        %dma_wait3A_27 = tpu.memref_squeeze %dma_wait3A_26 : memref<1x2000xi32, #tpu.memory_space<hbm>> -> memref<2000xi32, #tpu.memory_space<hbm>>
        tpu.wait_dma2 semaphore(%run_scoped3A : memref<!tpu.dma_semaphore, #tpu.memory_space<semaphore_mem>>) src(%dma_wait3A_27 : memref<2000xi32, #tpu.memory_space<hbm>>) dst(%arg11 : memref<2000xi32, #tpu.memory_space<vmem>>)
        tpu.yield
      }) : () -> ()
      %mul3A_10 = arith.constant 2 : i32
      %mul3A_11 = arith.muli %add3A_9, %mul3A_10 : i32
      %add3A_12 = arith.addi %mul3A_11, %arg0 : i32
      "tpu.region"() ({
        %run_scoped3A = tpu.sem_alloc : memref<!tpu.dma_semaphore, #tpu.memory_space<semaphore_mem>>
        %dma_start3A = arith.constant 0 : i32
        %dma_start3A_18 = tpu.memref_slice %arg5[%add3A_12, %dma_start3A] : memref<320x2000xf32, #tpu.memory_space<hbm>> -> memref<1x2000xf32, #tpu.memory_space<hbm>>
        %dma_start3A_19 = tpu.memref_squeeze %dma_start3A_18 : memref<1x2000xf32, #tpu.memory_space<hbm>> -> memref<2000xf32, #tpu.memory_space<hbm>>
        %dma_start3A_20 = arith.constant 0 : i32
        %dma_start3A_21 = tpu.memref_slice %arg5[%add3A_12, %dma_start3A_20] : memref<320x2000xf32, #tpu.memory_space<hbm>> -> memref<1x2000xf32, #tpu.memory_space<hbm>>
        %dma_start3A_22 = tpu.memref_squeeze %dma_start3A_21 : memref<1x2000xf32, #tpu.memory_space<hbm>> -> memref<2000xf32, #tpu.memory_space<hbm>>
        tpu.enqueue_dma source(%dma_start3A_22 : memref<2000xf32, #tpu.memory_space<hbm>>) target(%arg12 : memref<2000xf32, #tpu.memory_space<vmem>>) target_semaphore(%run_scoped3A : memref<!tpu.dma_semaphore, #tpu.memory_space<semaphore_mem>>)
        %dma_wait3A = arith.constant 0 : i32
        %dma_wait3A_23 = tpu.memref_slice %arg5[%add3A_12, %dma_wait3A] : memref<320x2000xf32, #tpu.memory_space<hbm>> -> memref<1x2000xf32, #tpu.memory_space<hbm>>
        %dma_wait3A_24 = tpu.memref_squeeze %dma_wait3A_23 : memref<1x2000xf32, #tpu.memory_space<hbm>> -> memref<2000xf32, #tpu.memory_space<hbm>>
        %dma_wait3A_25 = arith.constant 0 : i32
        %dma_wait3A_26 = tpu.memref_slice %arg5[%add3A_12, %dma_wait3A_25] : memref<320x2000xf32, #tpu.memory_space<hbm>> -> memref<1x2000xf32, #tpu.memory_space<hbm>>
        %dma_wait3A_27 = tpu.memref_squeeze %dma_wait3A_26 : memref<1x2000xf32, #tpu.memory_space<hbm>> -> memref<2000xf32, #tpu.memory_space<hbm>>
        tpu.wait_dma2 semaphore(%run_scoped3A : memref<!tpu.dma_semaphore, #tpu.memory_space<semaphore_mem>>) src(%dma_wait3A_27 : memref<2000xf32, #tpu.memory_space<hbm>>) dst(%arg12 : memref<2000xf32, #tpu.memory_space<vmem>>)
        tpu.yield
      }) : () -> ()
      %scan3A_13 = arith.constant 0 : i32
      %scan3A_14 = arith.constant 125 : i32
      %scan3A_15 = arith.addi %scan3A_13, %scan3A_14 : i32
      %scan3A_16 = arith.constant 1 : i32
      scf.for %scan3A_18 = %scan3A_13 to %scan3A_15 step %scan3A_16  : i32 {
        %mul3A_19 = arith.constant 1 : i32
        %mul3A_20 = arith.muli %scan3A_18, %mul3A_19 : i32
        %add3A_21 = arith.constant 0 : i32
        %add3A_22 = arith.addi %add3A_21, %mul3A_20 : i32
        %mul3A_23 = arith.constant 16 : i32
        %mul3A_24 = arith.muli %add3A_22, %mul3A_23 : i32
        %get3A = arith.index_cast %mul3A_24 : i32 to index
        %get3A_25 = tpu.vector_load %arg10[%get3A] {strides = array<i32>} : memref<2000xi32, #tpu.memory_space<vmem>>, vector<16xi32>,
        %get3A_26 = arith.index_cast %mul3A_24 : i32 to index
        %get3A_27 = tpu.vector_load %arg11[%get3A_26] {strides = array<i32>} : memref<2000xi32, #tpu.memory_space<vmem>>, vector<16xi32>,
        %get3A_28 = arith.index_cast %mul3A_24 : i32 to index
        %get3A_29 = tpu.vector_load %arg12[%get3A_28] {strides = array<i32>} : memref<2000xf32, #tpu.memory_space<vmem>>, vector<16xf32>,
        %add3A_30 = arith.constant 0 : i32
        %add3A_31 = vector.broadcast %add3A_30 : i32 to vector<16xi32>
        %add3A_32 = arith.addi %get3A_27, %add3A_31 : vector<16xi32>
        %gather3A = tpu.vector_load_idx %arg8[%add3A_32] : memref<40000xf32, #tpu.memory_space<vmem>>[vector<16xi32>], vector<16xf32>,
        %add3A_33 = arith.constant 0 : i32
        %add3A_34 = vector.broadcast %add3A_33 : i32 to vector<16xi32>
        %add3A_35 = arith.addi %get3A_25, %add3A_34 : vector<16xi32>
        %mul3A_36 = arith.mulf %gather3A, %get3A_29 : vector<16xf32>
        tpu.vector_store_idx %arg9[%add3A_35], %mul3A_36 {add = true} : memref<40000xf32, #tpu.memory_space<vmem>>[vector<16xi32>], vector<16xf32>,
        %add3A_37 = arith.constant 10000 : i32
        %add3A_38 = vector.broadcast %add3A_37 : i32 to vector<16xi32>
        %add3A_39 = arith.addi %get3A_27, %add3A_38 : vector<16xi32>
        %gather3A_40 = tpu.vector_load_idx %arg8[%add3A_39] : memref<40000xf32, #tpu.memory_space<vmem>>[vector<16xi32>], vector<16xf32>,
        %add3A_41 = arith.constant 10000 : i32
        %add3A_42 = vector.broadcast %add3A_41 : i32 to vector<16xi32>
        %add3A_43 = arith.addi %get3A_25, %add3A_42 : vector<16xi32>
        %mul3A_44 = arith.mulf %gather3A_40, %get3A_29 : vector<16xf32>
        tpu.vector_store_idx %arg9[%add3A_43], %mul3A_44 {add = true} : memref<40000xf32, #tpu.memory_space<vmem>>[vector<16xi32>], vector<16xf32>,
        %add3A_45 = arith.constant 20000 : i32
        %add3A_46 = vector.broadcast %add3A_45 : i32 to vector<16xi32>
        %add3A_47 = arith.addi %get3A_27, %add3A_46 : vector<16xi32>
        %gather3A_48 = tpu.vector_load_idx %arg8[%add3A_47] : memref<40000xf32, #tpu.memory_space<vmem>>[vector<16xi32>], vector<16xf32>,
        %add3A_49 = arith.constant 20000 : i32
        %add3A_50 = vector.broadcast %add3A_49 : i32 to vector<16xi32>
        %add3A_51 = arith.addi %get3A_25, %add3A_50 : vector<16xi32>
        %mul3A_52 = arith.mulf %gather3A_48, %get3A_29 : vector<16xf32>
        tpu.vector_store_idx %arg9[%add3A_51], %mul3A_52 {add = true} : memref<40000xf32, #tpu.memory_space<vmem>>[vector<16xi32>], vector<16xf32>,
        %add3A_53 = arith.constant 30000 : i32
        %add3A_54 = vector.broadcast %add3A_53 : i32 to vector<16xi32>
        %add3A_55 = arith.addi %get3A_27, %add3A_54 : vector<16xi32>
        %gather3A_56 = tpu.vector_load_idx %arg8[%add3A_55] : memref<40000xf32, #tpu.memory_space<vmem>>[vector<16xi32>], vector<16xf32>,
        %add3A_57 = arith.constant 30000 : i32
        %add3A_58 = vector.broadcast %add3A_57 : i32 to vector<16xi32>
        %add3A_59 = arith.addi %get3A_25, %add3A_58 : vector<16xi32>
        %mul3A_60 = arith.mulf %gather3A_56, %get3A_29 : vector<16xf32>
        tpu.vector_store_idx %arg9[%add3A_59], %mul3A_60 {add = true} : memref<40000xf32, #tpu.memory_space<vmem>>[vector<16xi32>], vector<16xf32>,
      }
      %scan3A_17 = arith.constant 125 : i32
    }
    %scan3A_4 = arith.constant 160 : i32
    "tpu.region"() ({
      %run_scoped3A = tpu.sem_alloc : memref<!tpu.dma_semaphore, #tpu.memory_space<semaphore_mem>>
      %dma_start3A = arith.constant 0 : i32
      %dma_start3A_5 = tpu.memref_slice %arg7[%add3A, %dma_start3A] : memref<32x40000xf32, #tpu.memory_space<hbm>> -> memref<1x40000xf32, #tpu.memory_space<hbm>>
      %dma_start3A_6 = tpu.memref_squeeze %dma_start3A_5 : memref<1x40000xf32, #tpu.memory_space<hbm>> -> memref<40000xf32, #tpu.memory_space<hbm>>
      %dma_start3A_7 = arith.constant 0 : i32
      %dma_start3A_8 = tpu.memref_slice %arg7[%add3A, %dma_start3A_7] : memref<32x40000xf32, #tpu.memory_space<hbm>> -> memref<1x40000xf32, #tpu.memory_space<hbm>>
      %dma_start3A_9 = tpu.memref_squeeze %dma_start3A_8 : memref<1x40000xf32, #tpu.memory_space<hbm>> -> memref<40000xf32, #tpu.memory_space<hbm>>
      tpu.enqueue_dma source(%arg9 : memref<40000xf32, #tpu.memory_space<vmem>>) target(%dma_start3A_9 : memref<40000xf32, #tpu.memory_space<hbm>>) target_semaphore(%run_scoped3A : memref<!tpu.dma_semaphore, #tpu.memory_space<semaphore_mem>>)
      %dma_wait3A = arith.constant 0 : i32
      %dma_wait3A_10 = tpu.memref_slice %arg7[%add3A, %dma_wait3A] : memref<32x40000xf32, #tpu.memory_space<hbm>> -> memref<1x40000xf32, #tpu.memory_space<hbm>>
      %dma_wait3A_11 = tpu.memref_squeeze %dma_wait3A_10 : memref<1x40000xf32, #tpu.memory_space<hbm>> -> memref<40000xf32, #tpu.memory_space<hbm>>
      %dma_wait3A_12 = arith.constant 0 : i32
      %dma_wait3A_13 = tpu.memref_slice %arg7[%add3A, %dma_wait3A_12] : memref<32x40000xf32, #tpu.memory_space<hbm>> -> memref<1x40000xf32, #tpu.memory_space<hbm>>
      %dma_wait3A_14 = tpu.memref_squeeze %dma_wait3A_13 : memref<1x40000xf32, #tpu.memory_space<hbm>> -> memref<40000xf32, #tpu.memory_space<hbm>>
      tpu.wait_dma2 semaphore(%run_scoped3A : memref<!tpu.dma_semaphore, #tpu.memory_space<semaphore_mem>>) src(%arg9 : memref<40000xf32, #tpu.memory_space<vmem>>) dst(%dma_wait3A_14 : memref<40000xf32, #tpu.memory_space<hbm>>)
      tpu.yield
    }) : () -> ()
    return
  }
}

module attributes {stable_mosaic.version = 14 : i64} {
  func.func @_dense_body(%arg0: memref<128x10000xf32, #tpu.memory_space<vmem>>, %arg1: memref<8x128xf32, #tpu.memory_space<vmem>>, %arg2: memref<128x128xf32, #tpu.memory_space<vmem>>, %arg3: memref<8x10000xf32, #tpu.memory_space<vmem>>, %arg4: memref<128x10000xf32, #tpu.memory_space<vmem>>) attributes {dimension_semantics = [], scalar_prefetch = 0 : i64, scratch_operands = 0 : i64, tpu.core_type = #tpu.core_type<tc>} {
    %get3A = arith.constant 0 : index
    %get3A_0 = arith.constant 0 : index
    %get3A_1 = vector.load %arg0[%get3A, %get3A_0] : memref<128x10000xf32, #tpu.memory_space<vmem>>, vector<128x10000xf32>
    %get3A_2 = arith.constant 0 : index
    %get3A_3 = arith.constant 0 : index
    %get3A_4 = vector.load %arg1[%get3A_2, %get3A_3] : memref<8x128xf32, #tpu.memory_space<vmem>>, vector<8x128xf32>
    %dot_general3A = arith.constant dense<0.000000e+00> : vector<8x10000xf32>
    %dot_general3A_5 = tpu.matmul %get3A_4, %get3A_1, %dot_general3A {dimension_numbers = #tpu.dot_dimension_numbers<[1], [0], [0], [1], [0, 0, 1, 1], [], []>, transpose_lhs_hint = false} : vector<8x128xf32>, vector<128x10000xf32>, vector<8x10000xf32> -> vector<8x10000xf32>
    %swap3A = arith.constant 0 : index
    %swap3A_6 = arith.constant 0 : index
    %swap3A_7 = vector.load %arg3[%swap3A, %swap3A_6] : memref<8x10000xf32, #tpu.memory_space<vmem>>, vector<8x10000xf32>
    tpu.vector_store %arg3[%swap3A, %swap3A_6], %dot_general3A_5 {strides = array<i32>} : memref<8x10000xf32, #tpu.memory_space<vmem>>, vector<8x10000xf32>,
    %get3A_8 = arith.constant 0 : index
    %get3A_9 = arith.constant 0 : index
    %get3A_10 = vector.load %arg2[%get3A_8, %get3A_9] : memref<128x128xf32, #tpu.memory_space<vmem>>, vector<128x128xf32>
    %dot_general3A_11 = arith.constant dense<0.000000e+00> : vector<128x10000xf32>
    %dot_general3A_12 = tpu.matmul %get3A_10, %get3A_1, %dot_general3A_11 {dimension_numbers = #tpu.dot_dimension_numbers<[1], [0], [0], [1], [0, 0, 1, 1], [], []>, transpose_lhs_hint = false} : vector<128x128xf32>, vector<128x10000xf32>, vector<128x10000xf32> -> vector<128x10000xf32>
    %neg3A = arith.constant 0.000000e+00 : f32
    %neg3A_13 = vector.broadcast %neg3A : f32 to vector<128x10000xf32>
    %neg3A_14 = arith.subf %neg3A_13, %dot_general3A_12 : vector<128x10000xf32>
    %swap3A_15 = arith.constant 0 : index
    %swap3A_16 = arith.constant 0 : index
    %swap3A_17 = vector.load %arg4[%swap3A_15, %swap3A_16] : memref<128x10000xf32, #tpu.memory_space<vmem>>, vector<128x10000xf32>
    tpu.vector_store %arg4[%swap3A_15, %swap3A_16], %neg3A_14 {strides = array<i32>} : memref<128x10000xf32, #tpu.memory_space<vmem>>, vector<128x10000xf32>,
    return
  }
}

module attributes {stable_mosaic.version = 14 : i64} {
  func.func @_dinv_body(%arg0: memref<32x2x10000xf32, #tpu.memory_space<vmem>>, %arg1: memref<128x10000xf32, #tpu.memory_space<vmem>>, %arg2: memref<2x10000xf32, #tpu.memory_space<vmem>>, %arg3: memref<128x10000xf32, #tpu.memory_space<vmem>>) attributes {dimension_semantics = [], scalar_prefetch = 0 : i64, scratch_operands = 0 : i64, tpu.core_type = #tpu.core_type<tc>} {
    %get3A = arith.constant 0 : index
    %get3A_0 = arith.constant 0 : index
    %get3A_1 = arith.constant 0 : index
    %get3A_2 = vector.load %arg0[%get3A, %get3A_0, %get3A_1] : memref<32x2x10000xf32, #tpu.memory_space<vmem>>, vector<32x2x10000xf32>
    %reduce_sum3A = arith.constant dense<0.000000e+00> : vector<2x10000xf32>
    %reduce_sum3A_3 = vector.multi_reduction <add>, %get3A_2, %reduce_sum3A [0] : vector<32x2x10000xf32> to vector<2x10000xf32>
    %add3A = arith.constant 9.99999997E-7 : f32
    %add3A_4 = vector.broadcast %add3A : f32 to vector<2x10000xf32>
    %add3A_5 = arith.addf %reduce_sum3A_3, %add3A_4 : vector<2x10000xf32>
    %rsqrt3A = math.rsqrt %add3A_5 : vector<2x10000xf32>
    %swap3A = arith.constant 0 : index
    %swap3A_6 = arith.constant 0 : index
    %swap3A_7 = vector.load %arg2[%swap3A, %swap3A_6] : memref<2x10000xf32, #tpu.memory_space<vmem>>, vector<2x10000xf32>
    tpu.vector_store %arg2[%swap3A, %swap3A_6], %rsqrt3A {strides = array<i32>} : memref<2x10000xf32, #tpu.memory_space<vmem>>, vector<2x10000xf32>,
    %get3A_8 = arith.constant 0 : index
    %get3A_9 = arith.constant 0 : index
    %get3A_10 = vector.load %arg1[%get3A_8, %get3A_9] : memref<128x10000xf32, #tpu.memory_space<vmem>>, vector<128x10000xf32>
    %slice3A = vector.extract_strided_slice %rsqrt3A {offsets = [0, 0], sizes = [1, 10000], strides = [1, 1]} : vector<2x10000xf32> to vector<1x10000xf32>
    %broadcast_in_dim3A = vector.shape_cast %slice3A : vector<1x10000xf32> to vector<1x10000xf32>
    %broadcast_in_dim3A_11 = vector.broadcast %broadcast_in_dim3A : vector<1x10000xf32> to vector<64x10000xf32>
    %slice3A_12 = vector.extract_strided_slice %rsqrt3A {offsets = [1, 0], sizes = [1, 10000], strides = [1, 1]} : vector<2x10000xf32> to vector<1x10000xf32>
    %broadcast_in_dim3A_13 = vector.shape_cast %slice3A_12 : vector<1x10000xf32> to vector<1x10000xf32>
    %broadcast_in_dim3A_14 = vector.broadcast %broadcast_in_dim3A_13 : vector<1x10000xf32> to vector<64x10000xf32>
    %concatenate3A = tpu.concatenate %broadcast_in_dim3A_11, %broadcast_in_dim3A_14 in 0 : vector<64x10000xf32>, vector<64x10000xf32> -> vector<128x10000xf32>
    %mul3A = arith.mulf %get3A_10, %concatenate3A : vector<128x10000xf32>
    %swap3A_15 = arith.constant 0 : index
    %swap3A_16 = arith.constant 0 : index
    %swap3A_17 = vector.load %arg3[%swap3A_15, %swap3A_16] : memref<128x10000xf32, #tpu.memory_space<vmem>>, vector<128x10000xf32>
    tpu.vector_store %arg3[%swap3A_15, %swap3A_16], %mul3A {strides = array<i32>} : memref<128x10000xf32, #tpu.memory_space<vmem>>, vector<128x10000xf32>,
    return
  }
}

module attributes {stable_mosaic.version = 14 : i64} {
  func.func @_final_body(%arg0: memref<128x10000xf32, #tpu.memory_space<vmem>>, %arg1: memref<128x10000xf32, #tpu.memory_space<vmem>>, %arg2: memref<2x10000xf32, #tpu.memory_space<vmem>>, %arg3: memref<128x10000xf32, #tpu.memory_space<vmem>>) attributes {dimension_semantics = [], scalar_prefetch = 0 : i64, scratch_operands = 0 : i64, tpu.core_type = #tpu.core_type<tc>} {
    %get3A = arith.constant 0 : index
    %get3A_0 = arith.constant 0 : index
    %get3A_1 = vector.load %arg1[%get3A, %get3A_0] : memref<128x10000xf32, #tpu.memory_space<vmem>>, vector<128x10000xf32>
    %get3A_2 = arith.constant 0 : index
    %get3A_3 = arith.constant 0 : index
    %get3A_4 = vector.load %arg0[%get3A_2, %get3A_3] : memref<128x10000xf32, #tpu.memory_space<vmem>>, vector<128x10000xf32>
    %get3A_5 = arith.constant 0 : index
    %get3A_6 = arith.constant 0 : index
    %get3A_7 = vector.load %arg2[%get3A_5, %get3A_6] : memref<2x10000xf32, #tpu.memory_space<vmem>>, vector<2x10000xf32>
    %slice3A = vector.extract_strided_slice %get3A_7 {offsets = [0, 0], sizes = [1, 10000], strides = [1, 1]} : vector<2x10000xf32> to vector<1x10000xf32>
    %broadcast_in_dim3A = vector.shape_cast %slice3A : vector<1x10000xf32> to vector<1x10000xf32>
    %broadcast_in_dim3A_8 = vector.broadcast %broadcast_in_dim3A : vector<1x10000xf32> to vector<64x10000xf32>
    %slice3A_9 = vector.extract_strided_slice %get3A_7 {offsets = [1, 0], sizes = [1, 10000], strides = [1, 1]} : vector<2x10000xf32> to vector<1x10000xf32>
    %broadcast_in_dim3A_10 = vector.shape_cast %slice3A_9 : vector<1x10000xf32> to vector<1x10000xf32>
    %broadcast_in_dim3A_11 = vector.broadcast %broadcast_in_dim3A_10 : vector<1x10000xf32> to vector<64x10000xf32>
    %concatenate3A = tpu.concatenate %broadcast_in_dim3A_8, %broadcast_in_dim3A_11 in 0 : vector<64x10000xf32>, vector<64x10000xf32> -> vector<128x10000xf32>
    %mul3A = arith.mulf %get3A_4, %concatenate3A : vector<128x10000xf32>
    %add3A = arith.addf %get3A_1, %mul3A : vector<128x10000xf32>
    %swap3A = arith.constant 0 : index
    %swap3A_12 = arith.constant 0 : index
    %swap3A_13 = vector.load %arg3[%swap3A, %swap3A_12] : memref<128x10000xf32, #tpu.memory_space<vmem>>, vector<128x10000xf32>
    tpu.vector_store %arg3[%swap3A, %swap3A_12], %add3A {strides = array<i32>} : memref<128x10000xf32, #tpu.memory_space<vmem>>, vector<128x10000xf32>,
    return
  }
}

</mosaic_0001>

<sc_bundles>
// kernel: kernel.10.cloned.1.call-start
scs
__scs_entry_jumppad:
0x0: {  	(pc) =	sbr.rel $0x88, $3  }
0x1: {  	(tag) =	ssettag $0x0;
	lr =	simm.s32 $0x1  }
0x2: {  	[smem:$0x3F9C] =	sst lr;
	_ =	strace $0xD0000000  }
0x3: {  	_ = 	snop  }
0x4: {  	_ = 	snop  }
0x5: {  	_ = 	snop  }
0x6: {  	_ = 	snop  }
0x7: {  	_ = 	snop  }
__scs_overlays_trampoline_lowered:
0x8: {  	[smem:$0x3FAB] =	sst s0  }
0x9: {  	[smem:$0x3FAC] =	sst s1  }
0xa: {  	[smem:$0x3FAD] =	sst s2  }
0xb: {  	[smem:$0x3FAE] =	sst s3  }
0xc: {  	[smem:$0x3FAF] =	sst s4  }
0xd: {  	[smem:$0x3FB0] =	sst s5  }
0xe: {  	[smem:$0x3FB1] =	sst s6  }
0xf: {  	[smem:$0x3FB2] =	sst s7  }
0x10: {  	[smem:$0x3FB3] =	sst s8  }
0x11: {  	[smem:$0x3FB4] =	sst s9;
	s0 =	simm.s32 @!p0 $0x0  }
0x12: {  	s1 =	sld [smem:$0x3F9A];
	s0 =	simm.s32 @p0 $0x1  }
0x13: {  	[smem:$0x3FB5] =	sst s0;
	s0 =	simm.s32 @!p1 $0x0  }
0x14: {  	s2 =	sld [smem:$0x3F99];
	s0 =	simm.s32 @p1 $0x1  }
0x15: {  	[smem:$0x3FB6] =	sst s0;
	s0 =	simm.s32 @!p2 $0x0  }
0x16: {  	s3 =	sld [smem:$0x3FDB];
	s0 =	simm.s32 @p2 $0x1  }
0x17: {  	s4 =	simm.s32 $0x1BF5;
	[smem:$0x3FB8] =	sst s0  }
0x18: {  	s0 =	sld [smem:$0x3F9B];
	_ =	swait.ge [sflag:s4], $0x0  }
0x19: {  	s7 =	sld [smem:$0x3F9C]  }
0x1a: {  	s8 =	sadd.s32 $0xFFFFE003, lr  }
0x1b: {  	s9 =	sadd.s32 $0xFFFFFEF7, lr;
	s5 =	simm.s32 $0xFFFFFFFF;
	p2 =	slt.u32 s8, $0xFFFFF086  }
0x1c: {  	p1 =	slt.u32 s9, $0xF7A;
	s5 =	simm.s32 @!p2 $0x0  }
0x1d: {  	s5 =	simm.s32 @p1 $0x1;
	p0 =	seq.s32 s7, s2  }
0x1e: {  	s7 =	smul.u32 @!p0 $0xF7A, s2;
	p2 =	seq.s32 @!p0 s5, $0x0  }
0x1f: {  	s9 =	smul.u32 $0xF7A, s1;
	s8 =	simm.s32 @!p0 $0x1BF5;
	p2 =	por !p2, p0  }
0x20: {  	[sflag:s8] =	ssyncset.s32 @!p0 $0xFFFFF086;
	s6 =	sadd.s32 @!p0 s3, s7;
	s7 =	simm.s32 @!p0 $0x108  }
0x21: {  	s3 =	sadd.s32 s3, s9;
	s6 =	sadd.s32 @!p0 $0x88, s6;
	s7 =	simm.s32 @p2 $0x1082  }
0x22: {  	[simem:s7], [sflag:s8] =	dma.local @!p0 [hbm:s6], $0xF7A  }
0x23: {  	s9 =	sor.u32 $0xD0000000, s2;
	s6 =	simm.s32 $0x108;
	_ =	swait.ge @!p0 [sflag:s8], $0x0  }
0x24: {  	s3 =	sadd.s32 $0x88, s3;
	s6 =	simm.s32 @!p1 $0x1082;
	[sflag:s4] =	ssyncset.s32 $0xFFFFF086  }
0x25: {  	[simem:s6], [sflag:s4] =	dma.local [hbm:s3], $0xF7A  }
0x26: {  	[smem:$0x3F9C] =	sst s1;
	(tag) =	ssettag s2;
	_ =	strace s9  }
0x27: {  	s1 =	sld [smem:$0x3FAC]  }
0x28: {  	s2 =	sld [smem:$0x3FAD]  }
0x29: {  	s4 =	sld [smem:$0x3FAF]  }
0x2a: {  	p0 =	seq.s32 s5, $0x0;
	s5 =	sld [smem:$0x3FB0]  }
0x2b: {  	s6 =	sld [smem:$0x3FB1]  }
0x2c: {  	s7 =	sld [smem:$0x3FB2]  }
0x2d: {  	s3 =	simm.s32 $0x108;
	s8 =	sld [smem:$0x3FB3]  }
0x2e: {  	s3 =	simm.s32 @!p0 $0x1082;
	s9 =	sld [smem:$0x3FB4]  }
0x2f: {  	lr =	sadd.s32 s0, s3;
	s0 =	sld [smem:$0x3FAB]  }
0x30: {  	s3 =	sld [smem:$0x3FAE]  }
0x31: {  	[smem:$0x3FB7] =	sst s10  }
0x32: {  	s10 =	sld [smem:$0x3FB5];
	_ =	sdelay $0x3  }
0x33: {  	p0 =	seq.s32 s10, $0x1;
	s10 =	sld [smem:$0x3FB7];
	_ =	sdelay $0x3  }
0x34: {  	[smem:$0x3FB7] =	sst s10  }
0x35: {  	s10 =	sld [smem:$0x3FB6];
	_ =	sdelay $0x3  }
0x36: {  	p1 =	seq.s32 s10, $0x1;
	s10 =	sld [smem:$0x3FB7];
	_ =	sdelay $0x3  }
0x37: {  	[smem:$0x3FB7] =	sst s10  }
0x38: {  	s10 =	sld [smem:$0x3FB8]  }
0x39: {  	_ = 	snop;
	(pc) =	sbr.ind lr, $3  }
0x3a: {  	_ = 	snop  }
0x3b: {  	_ = 	snop  }
0x3c: {  	p2 =	seq.s32 s10, $0x1;
	s10 =	sld [smem:$0x3FB7]  }
0x3d: {  	_ =	shalt  }
0x3e: {  	_ =	shalt  }
0x3f: {  	_ =	shalt  }
0x40: {  	_ =	shalt  }
0x41: {  	_ =	shalt  }
0x42: {  	_ =	shalt  }
0x43: {  	_ =	shalt  }
0x44: {  	_ =	shalt  }
0x45: {  	_ =	shalt  }
0x46: {  	_ =	shalt  }
0x47: {  	_ =	shalt  }
0x48: {  	_ =	shalt  }
0x49: {  	_ =	shalt  }
0x4a: {  	_ =	shalt  }
0x4b: {  	_ =	shalt  }
0x4c: {  	_ =	shalt  }
0x4d: {  	_ =	shalt  }
0x4e: {  	_ =	shalt  }
0x4f: {  	_ =	shalt  }
0x50: {  	_ =	shalt  }
0x51: {  	_ =	shalt  }
0x52: {  	_ =	shalt  }
0x53: {  	_ =	shalt  }
0x54: {  	_ =	shalt  }
0x55: {  	_ =	shalt  }
0x56: {  	_ =	shalt  }
0x57: {  	_ =	shalt  }
0x58: {  	_ =	shalt  }
0x59: {  	_ =	shalt  }
0x5a: {  	_ =	shalt  }
0x5b: {  	_ =	shalt  }
0x5c: {  	_ =	shalt  }
0x5d: {  	_ =	shalt  }
0x5e: {  	_ =	shalt  }
0x5f: {  	_ =	shalt  }
0x60: {  	_ =	shalt  }
0x61: {  	_ =	shalt  }
0x62: {  	_ =	shalt  }
0x63: {  	_ =	shalt  }
0x64: {  	_ =	shalt  }
0x65: {  	_ =	shalt  }
0x66: {  	_ =	shalt  }
0x67: {  	_ =	shalt  }
0x68: {  	_ =	shalt  }
0x69: {  	_ =	shalt  }
0x6a: {  	_ =	shalt  }
0x6b: {  	_ =	shalt  }
0x6c: {  	_ =	shalt  }
0x6d: {  	_ =	shalt  }
0x6e: {  	_ =	shalt  }
0x6f: {  	_ =	shalt  }
0x70: {  	_ =	shalt  }
0x71: {  	_ =	shalt  }
0x72: {  	_ =	shalt  }
0x73: {  	_ =	shalt  }
0x74: {  	_ =	shalt  }
0x75: {  	_ =	shalt  }
0x76: {  	_ =	shalt  }
0x77: {  	_ =	shalt  }
0x78: {  	_ =	shalt  }
0x79: {  	_ =	shalt  }
0x7a: {  	_ =	shalt  }
0x7b: {  	_ =	shalt  }
0x7c: {  	_ =	shalt  }
0x7d: {  	_ =	shalt  }
0x7e: {  	_ =	shalt  }
0x7f: {  	_ =	shalt  }
0x80: {  	_ =	shalt  }
0x81: {  	_ =	shalt  }
0x82: {  	_ =	shalt  }
0x83: {  	_ =	shalt  }
0x84: {  	_ =	shalt  }
0x85: {  	_ =	shalt  }
0x86: {  	_ =	shalt  }
0x87: {  	_ =	shalt  }
.Lfunc_end0:
.L_simem_size_0:
called_computation.1_lowered:
.L_overlay_start_0:
0x88: {  	s2 =	sld [smem:$0x3FD9]  }
0x89: {  	s3 =	sld [smem:$0x3FFE];
	_ =	sdelay $0x1  }
0x8a: {  	s1 =	srdreg.scid  }
0x8b: {  	s0 =	sand.u32 $0x1, s1  }
0x8c: {  	s17 =	sshll.u32 s0, $0xA;
	s2 =	sadd.s32 s3, s2  }
0x8d: {  	s2 =	sadd.s32 s2, s17  }
0x8e: {  	[smem:$0x3FC3] =	sst s2  }
0x8f: {  	_ = 	snop  }
0x90: {  	s2 =	sld [smem:$0x3FD0];
	(tm) =	ssettm $0x1  }
0x91: {  	s18 =	sld [smem:$0x3FFB];
	_ =	sdelay $0x3  }
0x92: {  	_ =	strace s18  }
0x93: {  	s3 =	sld [smem:$0x3FFC];
	_ =	sdelay $0x3  }
0x94: {  	_ =	strace s3  }
0x95: {  	s3 =	sld [smem:$0x3FFD];
	_ =	sdelay $0x3  }
0x96: {  	_ =	strace s3  }
0x97: {  	_ =	strace $0x8FFFFFFF  }
0x98: {  	s19 =	sld [smem:$0x3FDB];
	_ =	sdelay $0x1  }
0x99: {  	s4 =	simm.s32 $_scs_section_size  }
0x9a: {  	s5 =	simm.s32 $_size__tile_overlayer_lowered;
	s6 =	simm.s32 $_tile_overlayer_lowered  }
0x9b: {  	s22 =	simm.s32 $0x1BFF;
	s21 =	sshll.u32 s6, $0x1;
	s3 =	sadd.s32 s4, s19  }
0x9c: {  	s7 =	simm.s32 $0x0;
	s20 =	sshll.u32 s5, $0x1;
	s5 =	sadd.s32 s21, s3  }
0x9d: {  	[timem:s7], [sflag:s22] =	dma.local [hbm:s5], s20  }
0x9e: {  	_ =	swait.ge [sflag:s22], s20  }
0x9f: {  	s4 =	ssub.s32 $0x0, s20;
	[sflag:s22] =	ssyncset.done $0x0  }
0xa0: {  	[sflag:s22] =	ssyncadd.s32 s4;
	_ =	sdelay $0x1  }
0xa1: {  	s23 =	simm.s32 $0x1B8B  }
0xa2: {  	_ =	swait.ge [sflag:s23], $0x1  }
0xa3: {  	[sflag:s23] =	ssyncset.done $0x0  }
0xa4: {  	s25 =	simm.s32 $0x1B8E;
	s24 =	sld [smem:$0x3FFE];
	[sflag:s23] =	ssyncadd.s32 $0xFFFFFFFF  }
0xa5: {  	s26 =	simm.s32 $execute0_lowered;
	[smem:$0x3FD2] =	sst s25  }
0xa6: {  	s5 =	sshll.u32 s26, $0x1;
	_ =	strace $0x80000049;
	[dreg:$0x1] =	wrdreg $0xFFFFFFFF  }
0xa7: {  	s28 =	simm.s32 $_size_execute0_lowered;
	s3 =	sadd.s32 s3, s5;
	[dreg:$0x0] =	wrdreg $0x0  }
0xa8: {  	s5 =	sshll.u32 s28, $0x1;
	[dreg:$0x2] =	wrdreg s3  }
0xa9: {  	[dreg:$0x3] =	wrdreg s5  }
0xaa: {  	[dreg:$0x4] =	wrdreg $0xC0  }
0xab: {  	_ =	task [dreg:s7], $0x5FFFF  }
0xac: {  	[dreg:$0x1] =	wrdreg $0xFFFFFFFF  }
0xad: {  	[dreg:$0x0] =	wrdreg $0x60  }
0xae: {  	[dreg:$0x2] =	wrdreg s2  }
0xaf: {  	[dreg:$0x3] =	wrdreg s24  }
0xb0: {  	[dreg:$0x4] =	wrdreg $0x9  }
0xb1: {  	_ =	task.clear_ibuf [dreg:s7], $0x5FFFF;
	_ =	strace $0x90000049  }
0xb2: {  	s29 =	simm.s32 $0x9;
	_ =	strace $0x8000004B  }
0xb3: {  	_ =	swait.ge [sflag:s29], $0x1  }
0xb4: {  	[sflag:s29] =	ssyncadd.s32 $0xFFFFFFFF  }
0xb5: {  	_ =	strace $0x9000004B  }
0xb6: {  	_ =	sfence  }
0xb7: {  	s30 =	sld [smem:$0x0];
	_ =	sdelay $0x2  }
0xb8: {  	s31 =	sshll.u32 s1, $0xD;
	s1 =	sshrl.u32 s1, $0x2  }
0xb9: {  	s3 =	sand.u32 $0x4000, s31;
	s1 =	sadd.s32 s1, s30  }
0xba: {  	s0 =	sor.u32 s3, s0;
	s1 =	sshll.u32 s1, $0x11  }
0xbb: {  	s0 =	sor.u32 s1, s0  }
0xbc: {  	s0 =	sadd.s32 $0x8F2B, s0  }
0xbd: {  	[sflag:s0] =	ssyncadd.remote.s32 $0x1  }
0xbe: {  	_ =	sfence.sel $0xFFFF  }
0xbf: {  	[dreg:$0x0] =	wrdreg $0xFFFFFFFF;
	(pc) =	sbr.abs _section_cstart, $3  }
0xc0: {  	[dreg:$0x1] =	wrdreg $0xFFFFFFFF  }
0xc1: {  	_ =	task.clear_ibuf [dreg:s7], $0x2FFFF;
	_ =	strace $0x9FFFFFFF  }
0xc2: {  	(tm) =	ssettm $0x7FFFFFFF  }
0xc3: {  	_ =	shalt  }
tec
execute0_lowered:
.L_overlay_start_1:
0x0: {  	(tag) =	ssettag $0x1  }
0x1: {  	s6 =	rddreg [dreg:$0x0]  }
0x2: {  	s8 =	rddreg [dreg:$0x1]  }
0x3: {  	s0 =	srdreg.scid;
	s1 =	rddreg [dreg:$0x2]  }
0x4: {  	s2 =	simm.s32 $0x0;
	s12 =	simm.s32 $0x1;
	s13 =	simm.s32 $0x9C80  }
0x5: {  	s14 =	simm.s32 $0x13900;
	s15 =	simm.s32 $0x14100;
	s5 =	sand.u32 $0x1, s0  }
0x6: {  	s16 =	simm.s32 $0x14900;
	s0 =	stileid.u32;
	s7 =	sshll.u32 s5, $0x4  }
0x7: {  	s17 =	simm.s32 $0x0;
	[smem:$0x7FF] =	sst s2;
	s3 =	sor.u32 s0, s7  }
0x8: {  	s4 =	sshll.u32 s0, $0x7;
	_ =	strace $0x8000004A;
	s3 =	sshrl.u32 s3, $0x3  }
0x9: {  	s31 =	ssub.s32 $0x2, s5;
	s5 =	sadd.s32 $0x17C00, s8;
	s9 =	smul.u32 $0x4E400, s3  }
0xa: {  	s10 =	sand.u32 $0x380, s4;
	s4 =	sadd.s32 $0x1400, s8;
	s7 =	sadd.s32 s7, s8  }
0xb: {  	s11 =	sshrl.u32 s31, $0x1;
	s7 =	sadd.s32 $0x19000, s7;
	s9 =	sor.u32 s10, s9  }
0xc: {  	s3 =	sadd.s32 $0xB400, s8;
	s10 =	ssub.s32 s31, s11;
	s9 =	sshrl.u32 s9, $0x3  }
0xd: {  	s11 =	simm.s32 $0x400;
	s8 =	sadd.s32 s9, s8;
	s6 =	sadd.s32 s6, s9  }
0xe: {  	s9 =	smax.u32 s10, $0x1;
	s10 =	simm.s32 $0x80;
	s8 =	sadd.s32 $0x2D000, s8  }
.LBB2_1:
0xf: {  	[tilespmem:s2], [sflag:$0x1] =	stream.strided.gather [hbm4b:s6+s10], $0x9C80, s11, s10, $0x38;
	[tilespmem:$0x15100] =	vst v63  }
0x10: {  	_ =	swait.ge [sflag:s12], $0x9C80  }
0x11: {  	[sflag:s12] =	ssyncset.done $0x0  }
0x12: {  	[sflag:s12] =	ssyncadd.s32 $0xFFFF6380  }
0x13: {  	[tilespmem:s13], [sflag:$0x1] =	stream.linear.gather [hbm4b:s5+s2], $0x9C80, $0x38;
	[tilespmem:$0x15100] =	vst v63  }
0x14: {  	_ =	swait.ge [sflag:s12], $0x9C80  }
0x15: {  	[sflag:s12] =	ssyncset.done $0x0  }
0x16: {  	s18 =	simm.s32 $0x0;
	[sflag:s12] =	ssyncadd.s32 $0xFFFF6380  }
.LBB2_2:
0x17: {  	s19 =	sshll.u32 s18, $0x8;
	s20 =	sshll.u32 s18, $0x4  }
0x18: {  	s19 =	sand.u32 $0xF800, s19;
	s20 =	sand.u32 $0x70, s20  }
0x19: {  	s19 =	sor.u32 s20, s19  }
0x1a: {  	s20 =	sadd.s32 s3, s19  }
0x1b: {  	[tilespmem:s14], [sflag:$0x1] =	stream.strided.gather [hbm4b:s20+s10], $0x800, s11, s10, $0x38;
	[tilespmem:$0x15100] =	vst v63  }
0x1c: {  	_ =	swait.ge [sflag:s12], $0x800  }
0x1d: {  	s30 =	sshll.u32 s18, $0x9;
	[sflag:s12] =	ssyncset.done $0x0  }
0x1e: {  	s31 =	sshll.u32 s18, $0x5;
	s19 =	sadd.s32 s4, s19;
	[sflag:s12] =	ssyncadd.s32 $0xFFFFF800  }
0x1f: {  	[tilespmem:s15], [sflag:$0x1] =	stream.strided.gather [hbm4b:s19+s10], $0x800, s11, s10, $0x38;
	[tilespmem:$0x15100] =	vst v63  }
0x20: {  	s20 =	sand.u32 $0x60, s31;
	s19 =	sand.u32 $0x1F800, s30;
	_ =	swait.ge [sflag:s12], $0x800  }
0x21: {  	s19 =	sor.u32 s19, s20;
	[sflag:s12] =	ssyncset.done $0x0  }
0x22: {  	s19 =	sadd.s32 s19, s7;
	[sflag:s12] =	ssyncadd.s32 $0xFFFFF800  }
0x23: {  	[tilespmem:s16], [sflag:$0x1] =	stream.strided.gather [hbm4b:s19+s10], $0x800, s11, s10, $0x38;
	[tilespmem:$0x15100] =	vst v63  }
0x24: {  	_ =	swait.ge [sflag:s12], $0x800  }
0x25: {  	[sflag:s12] =	ssyncset.done $0x0  }
0x26: {  	s20 =	simm.s32 $0x0;
	s19 =	simm.s32 $0x40;
	[sflag:s12] =	ssyncadd.s32 $0xFFFFF800  }
.LBB2_3:
0x27: {  	p0 =	sne.s32 s19, $0x1F00;
	v0 =	vld [tilespmem:s20+$0x14100]  }
0x28: {  	v1 =	vld [tilespmem:s20+$0x13900]  }
0x29: {  	v2 =	vld [tilespmem:s20+$0x14900];
	_ =	sdelay $0x5  }
0x2a: {  	v3 =	vld.idx.msk [tilespmem:v0+s2+$0x0], $0xffff;
	_ =	sdelay $0x3  }
0x2b: {  	v4 =	vadd.s32 $0x2710, v0;
	_ =	sdelay $0x1  }
0x2c: {  	v3 =	vmul.f32 v3, v2;
	_ =	sdelay $0x1  }
0x2d: {  	[tilespmem:v1+s13+$0x0] =	vst.idx.add.f32.msk $0xffff, v3  }
0x2e: {  	v3 =	vld.idx.msk [tilespmem:v4+s2+$0x0], $0xffff;
	_ =	sdelay $0x2  }
0x2f: {  	v4 =	vadd.s32 $0x2710, v1  }
0x30: {  	v5 =	vadd.s32 $0x4E20, v0;
	_ =	sdelay $0x1  }
0x31: {  	v3 =	vmul.f32 v3, v2;
	_ =	sdelay $0x1  }
0x32: {  	[tilespmem:v4+s13+$0x0] =	vst.idx.add.f32.msk $0xffff, v3  }
0x33: {  	v3 =	vld.idx.msk [tilespmem:v5+s2+$0x0], $0xffff;
	_ =	sdelay $0x2  }
0x34: {  	v4 =	vadd.s32 $0x4E20, v1  }
0x35: {  	v0 =	vadd.s32 $0x7530, v0;
	_ =	sdelay $0x1  }
0x36: {  	v3 =	vmul.f32 v3, v2;
	_ =	sdelay $0x1  }
0x37: {  	[tilespmem:v4+s13+$0x0] =	vst.idx.add.f32.msk $0xffff, v3  }
0x38: {  	v0 =	vld.idx.msk [tilespmem:v0+s2+$0x0], $0xffff;
	_ =	sdelay $0x2  }
0x39: {  	v1 =	vadd.s32 $0x7530, v1  }
.Ltmp0:
0x3a: {  	(pc) =	sbr.rel @p0 .LBB2_3-.Ltmp0, $3  }
0x3b: {  	_ = 	snop  }
0x3c: {  	v0 =	vmul.f32 v0, v2;
	_ =	sdelay $0x1  }
0x3d: {  	s20 =	sshra.s32 s19, $0x2;
	s19 =	sadd.s32 $0x40, s19;
	[tilespmem:v1+s13+$0x0] =	vst.idx.add.f32.msk $0xffff, v0  }
0x3e: {  	v0 =	vld [tilespmem:s20+$0x14100];
	_ =	sdelay $0x5  }
0x3f: {  	v1 =	vld [tilespmem:s20+$0x13900]  }
0x40: {  	v2 =	vld [tilespmem:s20+$0x14900]  }
0x41: {  	v3 =	vld.idx.msk [tilespmem:v0+s2+$0x0], $0xffff;
	_ =	sdelay $0x2  }
0x42: {  	v4 =	vadd.s32 $0x2710, v0;
	_ =	sdelay $0x1  }
0x43: {  	v3 =	vmul.f32 v3, v2;
	_ =	sdelay $0x1  }
0x44: {  	[tilespmem:v1+s13+$0x0] =	vst.idx.add.f32.msk $0xffff, v3  }
0x45: {  	v3 =	vld.idx.msk [tilespmem:v4+s2+$0x0], $0xffff;
	_ =	sdelay $0x1  }
0x46: {  	v62 =	vadd.s32 $0x2710, v1  }
0x47: {  	v5 =	vadd.s32 $0x4E20, v0;
	_ =	sdelay $0x1  }
0x48: {  	v3 =	vmul.f32 v3, v2;
	_ =	sdelay $0x1  }
0x49: {  	[tilespmem:v62+s13+$0x0] =	vst.idx.add.f32.msk $0xffff, v3  }
0x4a: {  	v3 =	vld.idx.msk [tilespmem:v5+s2+$0x0], $0xffff;
	_ =	sdelay $0x1  }
0x4b: {  	v63 =	vadd.s32 $0x4E20, v1  }
0x4c: {  	v0 =	vadd.s32 $0x7530, v0;
	_ =	sdelay $0x1  }
0x4d: {  	v3 =	vmul.f32 v3, v2;
	_ =	sdelay $0x1  }
0x4e: {  	[tilespmem:v63+s13+$0x0] =	vst.idx.add.f32.msk $0xffff, v3  }
0x4f: {  	v0 =	vld.idx.msk [tilespmem:v0+s2+$0x0], $0xffff  }
0x50: {  	s18 =	sadd.s32 $0x1, s18  }
0x51: {  	p0 =	sne.s32 s18, $0xA0;
	v1 =	vadd.s32 $0x7530, v1  }
.Ltmp1:
0x52: {  	_ = 	snop;
	(pc) =	sbr.rel @p0 .LBB2_2-.Ltmp1, $3  }
0x53: {  	_ = 	snop  }
0x54: {  	v0 =	vmul.f32 v0, v2;
	_ =	sdelay $0x1  }
0x55: {  	[tilespmem:v1+s13+$0x0] =	vst.idx.add.f32.msk $0xffff, v0  }
0x56: {  	s17 =	sadd.s32 $0x1, s17  }
0x57: {  	p0 =	sne.s32 s17, s9  }
.Ltmp2:
0x58: {  	_ = 	snop;
	(pc) =	sbr.rel @p0 .LBB2_1-.Ltmp2, $4  }
0x59: {  	[hbm4b:s8+s10] =	stream.strided.scatter [tilespmem:s13], [sflag:$0x1], $0x9C80, s11, s10, $0x38;
	[tilespmem:$0x15100] =	vst v63  }
0x5a: {  	_ =	swait.ge [sflag:s12], $0x9C80  }
0x5b: {  	[sflag:s12] =	ssyncset.done $0x0  }
0x5c: {  	[sflag:s12] =	ssyncadd.s32 $0xFFFF6380  }
0x5d: {  	_ =	sfence.sel $0x180000  }
0x5e: {  	[bflag:$0x0] =	sbarrier.arrive $0xFFFF  }
0x5f: {  	p0 =	sne.s32 s0, $0x0;
	_ =	strace $0x9000004A  }
0x60: {  	s0 =	sadd.s32 @!p0 $0x100000, s1;
	[bflag:$0x2] =	sbarrier.arrive $0xFFFF  }
0x61: {  	[sflag:s0] =	ssyncadd.tile.s32 @!p0 $0x1;
	_ =	shalt  }
.Lfunc_end2:
_tile_overlayer_lowered:
.L_overlay_start_2:
0x62: {  	(tag) =	ssettag $0x2  }
0x63: {  	s0 =	rddreg [dreg:$0x0];
	s2 =	stileid.u32  }
0x64: {  	s1 =	rddreg [dreg:$0x1];
	p0 =	sne.s32 s2, $0x0  }
0x65: {  	s3 =	rddreg [dreg:$0x2];
	[bflag:$0x3] =	sbarrier.arrive $0xFFFF;
	s2 =	simm.s32 @!p0 $0x1C01  }
0x66: {  	[timem:s3], [sflag:s2] =	dma.local @!p0 [hbm:s0], s1  }
0x67: {  	s0 =	simm.s32 @!p0 $0x1  }
0x68: {  	_ =	swait.ge @!p0 [sflag:s0], s1  }
0x69: {  	s1 =	ssub.s32 @!p0 $0x0, s1;
	[sflag:s0] =	ssyncset.done @!p0 $0x0  }
0x6a: {  	[sflag:s0] =	ssyncadd.s32 @!p0 s1  }
0x6b: {  	[bflag:$0x3] =	sbarrier.arrive $0xFFFF  }
0x6c: {  	_ =	shalt  }

// kernel: kernel.7.cloned.1.call-start
scs
__scs_entry_jumppad:
0x0: {  	(pc) =	sbr.rel $0x88, $3  }
0x1: {  	(tag) =	ssettag $0x0;
	lr =	simm.s32 $0x1  }
0x2: {  	[smem:$0x3F9C] =	sst lr;
	_ =	strace $0xD0000000  }
0x3: {  	_ = 	snop  }
0x4: {  	_ = 	snop  }
0x5: {  	_ = 	snop  }
0x6: {  	_ = 	snop  }
0x7: {  	_ = 	snop  }
__scs_overlays_trampoline_lowered:
0x8: {  	[smem:$0x3FAB] =	sst s0  }
0x9: {  	[smem:$0x3FAC] =	sst s1  }
0xa: {  	[smem:$0x3FAD] =	sst s2  }
0xb: {  	[smem:$0x3FAE] =	sst s3  }
0xc: {  	[smem:$0x3FAF] =	sst s4  }
0xd: {  	[smem:$0x3FB0] =	sst s5  }
0xe: {  	[smem:$0x3FB1] =	sst s6  }
0xf: {  	[smem:$0x3FB2] =	sst s7  }
0x10: {  	[smem:$0x3FB3] =	sst s8  }
0x11: {  	[smem:$0x3FB4] =	sst s9;
	s0 =	simm.s32 @!p0 $0x0  }
0x12: {  	s1 =	sld [smem:$0x3F9A];
	s0 =	simm.s32 @p0 $0x1  }
0x13: {  	[smem:$0x3FB5] =	sst s0;
	s0 =	simm.s32 @!p1 $0x0  }
0x14: {  	s2 =	sld [smem:$0x3F99];
	s0 =	simm.s32 @p1 $0x1  }
0x15: {  	[smem:$0x3FB6] =	sst s0;
	s0 =	simm.s32 @!p2 $0x0  }
0x16: {  	s3 =	sld [smem:$0x3FDB];
	s0 =	simm.s32 @p2 $0x1  }
0x17: {  	s4 =	simm.s32 $0x1BF5;
	[smem:$0x3FB8] =	sst s0  }
0x18: {  	s0 =	sld [smem:$0x3F9B];
	_ =	swait.ge [sflag:s4], $0x0  }
0x19: {  	s7 =	sld [smem:$0x3F9C]  }
0x1a: {  	s8 =	sadd.s32 $0xFFFFE003, lr  }
0x1b: {  	s9 =	sadd.s32 $0xFFFFFEF7, lr;
	s5 =	simm.s32 $0xFFFFFFFF;
	p2 =	slt.u32 s8, $0xFFFFF086  }
0x1c: {  	p1 =	slt.u32 s9, $0xF7A;
	s5 =	simm.s32 @!p2 $0x0  }
0x1d: {  	s5 =	simm.s32 @p1 $0x1;
	p0 =	seq.s32 s7, s2  }
0x1e: {  	s7 =	smul.u32 @!p0 $0xF7A, s2;
	p2 =	seq.s32 @!p0 s5, $0x0  }
0x1f: {  	s9 =	smul.u32 $0xF7A, s1;
	s8 =	simm.s32 @!p0 $0x1BF5;
	p2 =	por !p2, p0  }
0x20: {  	[sflag:s8] =	ssyncset.s32 @!p0 $0xFFFFF086;
	s6 =	sadd.s32 @!p0 s3, s7;
	s7 =	simm.s32 @!p0 $0x108  }
0x21: {  	s3 =	sadd.s32 s3, s9;
	s6 =	sadd.s32 @!p0 $0x88, s6;
	s7 =	simm.s32 @p2 $0x1082  }
0x22: {  	[simem:s7], [sflag:s8] =	dma.local @!p0 [hbm:s6], $0xF7A  }
0x23: {  	s9 =	sor.u32 $0xD0000000, s2;
	s6 =	simm.s32 $0x108;
	_ =	swait.ge @!p0 [sflag:s8], $0x0  }
0x24: {  	s3 =	sadd.s32 $0x88, s3;
	s6 =	simm.s32 @!p1 $0x1082;
	[sflag:s4] =	ssyncset.s32 $0xFFFFF086  }
0x25: {  	[simem:s6], [sflag:s4] =	dma.local [hbm:s3], $0xF7A  }
0x26: {  	[smem:$0x3F9C] =	sst s1;
	(tag) =	ssettag s2;
	_ =	strace s9  }
0x27: {  	s1 =	sld [smem:$0x3FAC]  }
0x28: {  	s2 =	sld [smem:$0x3FAD]  }
0x29: {  	s4 =	sld [smem:$0x3FAF]  }
0x2a: {  	p0 =	seq.s32 s5, $0x0;
	s5 =	sld [smem:$0x3FB0]  }
0x2b: {  	s6 =	sld [smem:$0x3FB1]  }
0x2c: {  	s7 =	sld [smem:$0x3FB2]  }
0x2d: {  	s3 =	simm.s32 $0x108;
	s8 =	sld [smem:$0x3FB3]  }
0x2e: {  	s3 =	simm.s32 @!p0 $0x1082;
	s9 =	sld [smem:$0x3FB4]  }
0x2f: {  	lr =	sadd.s32 s0, s3;
	s0 =	sld [smem:$0x3FAB]  }
0x30: {  	s3 =	sld [smem:$0x3FAE]  }
0x31: {  	[smem:$0x3FB7] =	sst s10  }
0x32: {  	s10 =	sld [smem:$0x3FB5];
	_ =	sdelay $0x3  }
0x33: {  	p0 =	seq.s32 s10, $0x1;
	s10 =	sld [smem:$0x3FB7];
	_ =	sdelay $0x3  }
0x34: {  	[smem:$0x3FB7] =	sst s10  }
0x35: {  	s10 =	sld [smem:$0x3FB6];
	_ =	sdelay $0x3  }
0x36: {  	p1 =	seq.s32 s10, $0x1;
	s10 =	sld [smem:$0x3FB7];
	_ =	sdelay $0x3  }
0x37: {  	[smem:$0x3FB7] =	sst s10  }
0x38: {  	s10 =	sld [smem:$0x3FB8]  }
0x39: {  	_ = 	snop;
	(pc) =	sbr.ind lr, $3  }
0x3a: {  	_ = 	snop  }
0x3b: {  	_ = 	snop  }
0x3c: {  	p2 =	seq.s32 s10, $0x1;
	s10 =	sld [smem:$0x3FB7]  }
0x3d: {  	_ =	shalt  }
0x3e: {  	_ =	shalt  }
0x3f: {  	_ =	shalt  }
0x40: {  	_ =	shalt  }
0x41: {  	_ =	shalt  }
0x42: {  	_ =	shalt  }
0x43: {  	_ =	shalt  }
0x44: {  	_ =	shalt  }
0x45: {  	_ =	shalt  }
0x46: {  	_ =	shalt  }
0x47: {  	_ =	shalt  }
0x48: {  	_ =	shalt  }
0x49: {  	_ =	shalt  }
0x4a: {  	_ =	shalt  }
0x4b: {  	_ =	shalt  }
0x4c: {  	_ =	shalt  }
0x4d: {  	_ =	shalt  }
0x4e: {  	_ =	shalt  }
0x4f: {  	_ =	shalt  }
0x50: {  	_ =	shalt  }
0x51: {  	_ =	shalt  }
0x52: {  	_ =	shalt  }
0x53: {  	_ =	shalt  }
0x54: {  	_ =	shalt  }
0x55: {  	_ =	shalt  }
0x56: {  	_ =	shalt  }
0x57: {  	_ =	shalt  }
0x58: {  	_ =	shalt  }
0x59: {  	_ =	shalt  }
0x5a: {  	_ =	shalt  }
0x5b: {  	_ =	shalt  }
0x5c: {  	_ =	shalt  }
0x5d: {  	_ =	shalt  }
0x5e: {  	_ =	shalt  }
0x5f: {  	_ =	shalt  }
0x60: {  	_ =	shalt  }
0x61: {  	_ =	shalt  }
0x62: {  	_ =	shalt  }
0x63: {  	_ =	shalt  }
0x64: {  	_ =	shalt  }
0x65: {  	_ =	shalt  }
0x66: {  	_ =	shalt  }
0x67: {  	_ =	shalt  }
0x68: {  	_ =	shalt  }
0x69: {  	_ =	shalt  }
0x6a: {  	_ =	shalt  }
0x6b: {  	_ =	shalt  }
0x6c: {  	_ =	shalt  }
0x6d: {  	_ =	shalt  }
0x6e: {  	_ =	shalt  }
0x6f: {  	_ =	shalt  }
0x70: {  	_ =	shalt  }
0x71: {  	_ =	shalt  }
0x72: {  	_ =	shalt  }
0x73: {  	_ =	shalt  }
0x74: {  	_ =	shalt  }
0x75: {  	_ =	shalt  }
0x76: {  	_ =	shalt  }
0x77: {  	_ =	shalt  }
0x78: {  	_ =	shalt  }
0x79: {  	_ =	shalt  }
0x7a: {  	_ =	shalt  }
0x7b: {  	_ =	shalt  }
0x7c: {  	_ =	shalt  }
0x7d: {  	_ =	shalt  }
0x7e: {  	_ =	shalt  }
0x7f: {  	_ =	shalt  }
0x80: {  	_ =	shalt  }
0x81: {  	_ =	shalt  }
0x82: {  	_ =	shalt  }
0x83: {  	_ =	shalt  }
0x84: {  	_ =	shalt  }
0x85: {  	_ =	shalt  }
0x86: {  	_ =	shalt  }
0x87: {  	_ =	shalt  }
.Lfunc_end0:
.L_simem_size_0:
called_computation_lowered:
.L_overlay_start_0:
0x88: {  	s2 =	sld [smem:$0x3FD9]  }
0x89: {  	s3 =	sld [smem:$0x3FFE];
	_ =	sdelay $0x1  }
0x8a: {  	s1 =	srdreg.scid  }
0x8b: {  	s0 =	sand.u32 $0x1, s1  }
0x8c: {  	s17 =	sshll.u32 s0, $0xA;
	s2 =	sadd.s32 s3, s2  }
0x8d: {  	s2 =	sadd.s32 s2, s17  }
0x8e: {  	[smem:$0x3FC3] =	sst s2  }
0x8f: {  	_ = 	snop  }
0x90: {  	s2 =	sld [smem:$0x3FD0];
	(tm) =	ssettm $0x1  }
0x91: {  	s18 =	sld [smem:$0x3FFB];
	_ =	sdelay $0x3  }
0x92: {  	_ =	strace s18  }
0x93: {  	s3 =	sld [smem:$0x3FFC];
	_ =	sdelay $0x3  }
0x94: {  	_ =	strace s3  }
0x95: {  	s3 =	sld [smem:$0x3FFD];
	_ =	sdelay $0x3  }
0x96: {  	_ =	strace s3  }
0x97: {  	_ =	strace $0x8FFFFFFF  }
0x98: {  	s19 =	sld [smem:$0x3FDB];
	_ =	sdelay $0x1  }
0x99: {  	s4 =	simm.s32 $_scs_section_size  }
0x9a: {  	s5 =	simm.s32 $_size__tile_overlayer_lowered;
	s6 =	simm.s32 $_tile_overlayer_lowered  }
0x9b: {  	s22 =	simm.s32 $0x1BFF;
	s21 =	sshll.u32 s6, $0x1;
	s3 =	sadd.s32 s4, s19  }
0x9c: {  	s7 =	simm.s32 $0x0;
	s20 =	sshll.u32 s5, $0x1;
	s5 =	sadd.s32 s21, s3  }
0x9d: {  	[timem:s7], [sflag:s22] =	dma.local [hbm:s5], s20  }
0x9e: {  	_ =	swait.ge [sflag:s22], s20  }
0x9f: {  	s4 =	ssub.s32 $0x0, s20;
	[sflag:s22] =	ssyncset.done $0x0  }
0xa0: {  	[sflag:s22] =	ssyncadd.s32 s4;
	_ =	sdelay $0x1  }
0xa1: {  	s23 =	simm.s32 $0x1B8B  }
0xa2: {  	_ =	swait.ge [sflag:s23], $0x1  }
0xa3: {  	[sflag:s23] =	ssyncset.done $0x0  }
0xa4: {  	s25 =	simm.s32 $0x1B8E;
	s24 =	sld [smem:$0x3FFE];
	[sflag:s23] =	ssyncadd.s32 $0xFFFFFFFF  }
0xa5: {  	s26 =	simm.s32 $execute0_lowered;
	[smem:$0x3FD2] =	sst s25  }
0xa6: {  	s5 =	sshll.u32 s26, $0x1;
	_ =	strace $0x80000046;
	[dreg:$0x1] =	wrdreg $0xFFFFFFFF  }
0xa7: {  	s28 =	simm.s32 $_size_execute0_lowered;
	s3 =	sadd.s32 s3, s5;
	[dreg:$0x0] =	wrdreg $0x0  }
0xa8: {  	s5 =	sshll.u32 s28, $0x1;
	[dreg:$0x2] =	wrdreg s3  }
0xa9: {  	[dreg:$0x3] =	wrdreg s5  }
0xaa: {  	[dreg:$0x4] =	wrdreg $0xC0  }
0xab: {  	_ =	task [dreg:s7], $0x5FFFF  }
0xac: {  	[dreg:$0x1] =	wrdreg $0xFFFFFFFF  }
0xad: {  	[dreg:$0x0] =	wrdreg $0x60  }
0xae: {  	[dreg:$0x2] =	wrdreg s24  }
0xaf: {  	[dreg:$0x3] =	wrdreg s2  }
0xb0: {  	[dreg:$0x4] =	wrdreg $0x9  }
0xb1: {  	_ =	task.clear_ibuf [dreg:s7], $0x5FFFF;
	_ =	strace $0x90000046  }
0xb2: {  	s29 =	simm.s32 $0x9;
	_ =	strace $0x80000048  }
0xb3: {  	_ =	swait.ge [sflag:s29], $0x1  }
0xb4: {  	[sflag:s29] =	ssyncadd.s32 $0xFFFFFFFF  }
0xb5: {  	_ =	strace $0x90000048  }
0xb6: {  	_ =	sfence  }
0xb7: {  	s30 =	sld [smem:$0x0];
	_ =	sdelay $0x2  }
0xb8: {  	s31 =	sshll.u32 s1, $0xD;
	s1 =	sshrl.u32 s1, $0x2  }
0xb9: {  	s3 =	sand.u32 $0x4000, s31;
	s1 =	sadd.s32 s1, s30  }
0xba: {  	s0 =	sor.u32 s3, s0;
	s1 =	sshll.u32 s1, $0x11  }
0xbb: {  	s0 =	sor.u32 s1, s0  }
0xbc: {  	s0 =	sadd.s32 $0x8F2B, s0  }
0xbd: {  	[sflag:s0] =	ssyncadd.remote.s32 $0x1  }
0xbe: {  	_ =	sfence.sel $0xFFFF  }
0xbf: {  	[dreg:$0x0] =	wrdreg $0xFFFFFFFF;
	(pc) =	sbr.abs _section_cstart, $3  }
0xc0: {  	[dreg:$0x1] =	wrdreg $0xFFFFFFFF  }
0xc1: {  	_ =	task.clear_ibuf [dreg:s7], $0x2FFFF;
	_ =	strace $0x9FFFFFFF  }
0xc2: {  	(tm) =	ssettm $0x7FFFFFFF  }
0xc3: {  	_ =	shalt  }
tec
execute0_lowered:
.L_overlay_start_1:
0x0: {  	(tag) =	ssettag $0x1  }
0x1: {  	s8 =	rddreg [dreg:$0x0]  }
0x2: {  	s0 =	srdreg.scid;
	s2 =	rddreg [dreg:$0x1]  }
0x3: {  	s3 =	simm.s32 $0x0;
	s12 =	simm.s32 $0x15880;
	s13 =	simm.s32 $0x80  }
0x4: {  	s14 =	simm.s32 $0x400;
	s15 =	simm.s32 $0x13880;
	s7 =	sand.u32 $0x1, s0  }
0x5: {  	s16 =	simm.s32 $0x14080;
	s0 =	stileid.u32;
	s1 =	sshll.u32 s7, $0x4  }
0x6: {  	s17 =	simm.s32 $0x14880;
	s18 =	simm.s32 $0x0;
	s9 =	sor.u32 s0, s1  }
0x7: {  	[smem:$0x7FF] =	sst s3;
	s5 =	sadd.s32 $0xB400, s8;
	s4 =	sshrl.u32 s9, $0x3  }
0x8: {  	s30 =	sshll.u32 s0, $0x7;
	s11 =	ssub.s32 $0x2, s7;
	s6 =	smul.u32 $0x27400, s4  }
0x9: {  	s7 =	sadd.s32 $0x17C00, s8;
	s1 =	rddreg [dreg:$0x2];
	s10 =	sand.u32 $0x380, s30  }
0xa: {  	_ =	strace $0x80000047;
	s31 =	sshrl.u32 s11, $0x1;
	s10 =	sor.u32 s10, s6  }
0xb: {  	s11 =	ssub.s32 s11, s31;
	s4 =	sadd.s32 $0x15400, s8;
	s10 =	sshrl.u32 s10, $0x3  }
0xc: {  	s6 =	sadd.s32 $0x1400, s8;
	s10 =	sadd.s32 s10, s8;
	s8 =	smul.u32 $0x5, s9  }
0xd: {  	s9 =	sadd.s32 $0x19000, s10;
	s10 =	smax.u32 s11, $0x1;
	s11 =	simm.s32 $0x1  }
.LBB2_1:
0xe: {  	[tilespmem:s3], [sflag:$0x1] =	stream.linear.gather [hbm4b:s4+s3], $0x13880, $0x38;
	[tilespmem:$0x1A700] =	vst v63  }
0xf: {  	_ =	swait.ge [sflag:s11], $0x13880  }
0x10: {  	[sflag:s11] =	ssyncset.done $0x0  }
0x11: {  	[sflag:s11] =	ssyncadd.s32 $0xFFFEC780  }
0x12: {  	[tilespmem:s12], [sflag:$0x1] =	stream.linear.gather [hbm4b:s7+s3], $0x4E20, $0x38;
	[tilespmem:$0x1A700] =	vst v63  }
0x13: {  	_ =	swait.ge [sflag:s11], $0x4E20  }
0x14: {  	[sflag:s11] =	ssyncset.done $0x0  }
0x15: {  	s19 =	simm.s32 $0x0;
	[sflag:s11] =	ssyncadd.s32 $0xFFFFB1E0  }
.LBB2_2:
0x16: {  	s20 =	sadd.s32 s8, s19  }
0x17: {  	s21 =	sshrl.u32 s20, $0x3;
	s20 =	sshll.u32 s20, $0x7  }
0x18: {  	s20 =	sand.u32 $0x380, s20;
	s22 =	sshll.u32 s21, $0xE  }
0x19: {  	s22 =	sor.u32 s20, s22  }
0x1a: {  	s22 =	sshrl.u32 s22, $0x3  }
0x1b: {  	s23 =	sadd.s32 s5, s22  }
0x1c: {  	[tilespmem:s15], [sflag:$0x1] =	stream.strided.gather [hbm4b:s23+s13], $0x800, s14, s13, $0x38;
	[tilespmem:$0x1A700] =	vst v63  }
0x1d: {  	_ =	swait.ge [sflag:s11], $0x800  }
0x1e: {  	[sflag:s11] =	ssyncset.done $0x0  }
0x1f: {  	s22 =	sadd.s32 s6, s22;
	[sflag:s11] =	ssyncadd.s32 $0xFFFFF800  }
0x20: {  	[tilespmem:s16], [sflag:$0x1] =	stream.strided.gather [hbm4b:s22+s13], $0x800, s14, s13, $0x38;
	[tilespmem:$0x1A700] =	vst v63  }
0x21: {  	_ =	swait.ge [sflag:s11], $0x800  }
0x22: {  	[sflag:s11] =	ssyncset.done $0x0  }
0x23: {  	s22 =	simm.s32 $0x0;
	[sflag:s11] =	ssyncadd.s32 $0xFFFFF800  }
0x24: {  	v1 =	vld [tilespmem:s22+$0x13880]  }
0x25: {  	v0 =	vld [tilespmem:s22+$0x14080];
	_ =	sdelay $0x3  }
0x26: {  	v2 =	vadd.s32 $0x2710, v1  }
0x27: {  	v5 =	vadd.s32 $0x9C40, v0  }
0x28: {  	v3 =	vadd.s32 $0x7530, v1  }
0x29: {  	v4 =	vadd.s32 $0x4E20, v1  }
0x2a: {  	v6 =	vadd.s32 $0xC350, v0;
	v7 =	vld.idx.msk [tilespmem:v1+s3+$0x0], $0xffff  }
0x2b: {  	v8 =	vadd.s32 $0xEA60, v0;
	v9 =	vld.idx.msk [tilespmem:v2+s3+$0x0], $0xffff  }
0x2c: {  	v10 =	vadd.s32 $0x11170, v0;
	v5 =	vld.idx.msk [tilespmem:v5+s3+$0x0], $0xffff  }
0x2d: {  	v3 =	vld.idx.msk [tilespmem:v3+s3+$0x0], $0xffff  }
0x2e: {  	v4 =	vld.idx.msk [tilespmem:v4+s3+$0x0], $0xffff  }
0x2f: {  	v6 =	vld.idx.msk [tilespmem:v6+s3+$0x0], $0xffff  }
0x30: {  	v8 =	vld.idx.msk [tilespmem:v8+s3+$0x0], $0xffff  }
0x31: {  	v10 =	vld.idx.msk [tilespmem:v10+s3+$0x0], $0xffff;
	v5 =	vadd.f32 v5, v7;
	_ =	sdelay $0x1  }
0x32: {  	v5 =	vadd.f32 v5, v5  }
0x33: {  	v6 =	vadd.f32 v6, v9  }
0x34: {  	v4 =	vadd.f32 v8, v4;
	v5 =	vmul.f32 $1.442695020e+00, v5  }
0x35: {  	v3 =	vadd.f32 v10, v3;
	v6 =	vadd.f32 v6, v6  }
0x36: {  	v4 =	vadd.f32 v4, v4;
	(erf) = vpow2.f32 v5  }
0x37: {  	v3 =	vadd.f32 v3, v3;
	v6 =	vmul.f32 $1.442695020e+00, v6  }
0x38: {  	v4 =	vmul.f32 $1.442695020e+00, v4  }
0x39: {  	v3 =	vmul.f32 $1.442695020e+00, v3;
	(erf) = vpow2.f32 v6  }
0x3a: {  	(erf) = vpow2.f32 v4  }
0x3b: {  	(erf) = vpow2.f32 v3;
	_ =	sdelay $0x3  }
0x3c: {  	v3 =	vpop (erf)  }
0x3d: {  	v3 =	vadd.f32 $1.000000000e+00, v3;
	_ =	sdelay $0x1  }
0x3e: {  	v4 =	vpop (erf)  }
0x3f: {  	v4 =	vadd.f32 $1.000000000e+00, v4;
	v5 =	vpop (erf)  }
0x40: {  	v5 =	vadd.f32 $1.000000000e+00, v5;
	(erf) = vrcp.f32 v3;
	v3 =	vpop (erf)  }
0x41: {  	(erf) = vrcp.f32 v4;
	v3 =	vadd.f32 $1.000000000e+00, v3  }
0x42: {  	(erf) = vrcp.f32 v5  }
0x43: {  	(erf) = vrcp.f32 v3;
	_ =	sdelay $0x5  }
0x44: {  	v3 =	vpop (erf)  }
0x45: {  	v4 =	vpop (erf)  }
0x46: {  	v5 =	vpop (erf)  }
0x47: {  	v3 =	vadd.f32 v3, v3;
	v5 =	vadd.f32 v5, v5;
	v6 =	vpop (erf)  }
0x48: {  	v7 =	vadd.f32 v4, v4;
	v8 =	vadd.f32 v6, v6  }
0x49: {  	v4 =	vsub.f32 $1.000000000e+00, v5;
	v6 =	vsub.f32 $1.000000000e+00, v3  }
0x4a: {  	v5 =	vsub.f32 $1.000000000e+00, v7;
	v3 =	vsub.f32 $1.000000000e+00, v8  }
0x4b: {  	v7 =	vmul.f32 v4, v6  }
0x4c: {  	v8 =	vmul.f32 v3, v5  }
0x4d: {  	s23 =	simm.s32 $0x40;
	v7 =	vsub.f32 $0.0e+00, v7  }
.LBB2_3:
0x4e: {  	p0 =	sne.s32 s23, $0x1F00;
	v8 =	vsub.f32 $0.0e+00, v8;
	s24 =	smov.u32 s23;
	s23 =	sadd.s32 $0x40, s23  }
0x4f: {  	v6 =	vmul.f32 v6, v6;
	[tilespmem:s22+$0x14880] =	vst v7;
	v7 =	vadd.s32 $0x2710, v0  }
0x50: {  	v5 =	vmul.f32 v5, v5;
	[tilespmem:s22+$0x15050] =	vst v8  }
0x51: {  	[tilespmem:v1+s12+$0x0] =	vst.idx.add.f32.msk $0xffff, v6;
	v1 =	vmul.f32 v4, v4  }
0x52: {  	[tilespmem:v2+s12+$0x0] =	vst.idx.add.f32.msk $0xffff, v5;
	v2 =	vmul.f32 v3, v3  }
0x53: {  	[tilespmem:v0+s12+$0x0] =	vst.idx.add.f32.msk $0xffff, v1  }
0x54: {  	s22 =	sshra.s32 s24, $0x2;
	[tilespmem:v7+s12+$0x0] =	vst.idx.add.f32.msk $0xffff, v2  }
0x55: {  	v1 =	vld [tilespmem:s22+$0x13880]  }
0x56: {  	v0 =	vld [tilespmem:s22+$0x14080];
	_ =	sdelay $0x3  }
0x57: {  	v2 =	vadd.s32 $0x2710, v1;
	v3 =	vadd.s32 $0x4E20, v1;
	v4 =	vadd.s32 $0x7530, v1  }
0x58: {  	v5 =	vadd.s32 $0x9C40, v0;
	v6 =	vadd.s32 $0xC350, v0;
	v7 =	vadd.s32 $0xEA60, v0  }
0x59: {  	v8 =	vadd.s32 $0x11170, v0;
	_ =	sdelay $0x1  }
0x5a: {  	v9 =	vld.idx.msk [tilespmem:v1+s3+$0x0], $0xffff  }
0x5b: {  	v10 =	vld.idx.msk [tilespmem:v2+s3+$0x0], $0xffff  }
0x5c: {  	v4 =	vld.idx.msk [tilespmem:v4+s3+$0x0], $0xffff  }
0x5d: {  	v3 =	vld.idx.msk [tilespmem:v3+s3+$0x0], $0xffff  }
0x5e: {  	v5 =	vld.idx.msk [tilespmem:v5+s3+$0x0], $0xffff  }
0x5f: {  	v6 =	vld.idx.msk [tilespmem:v6+s3+$0x0], $0xffff  }
0x60: {  	v7 =	vld.idx.msk [tilespmem:v7+s3+$0x0], $0xffff  }
0x61: {  	v8 =	vld.idx.msk [tilespmem:v8+s3+$0x0], $0xffff;
	_ =	sdelay $0x2  }
0x62: {  	v5 =	vadd.f32 v5, v9  }
0x63: {  	v6 =	vadd.f32 v6, v10  }
0x64: {  	v5 =	vadd.f32 v5, v5;
	v3 =	vadd.f32 v7, v3  }
0x65: {  	v6 =	vadd.f32 v6, v6;
	v4 =	vadd.f32 v8, v4  }
0x66: {  	v5 =	vmul.f32 $1.442695020e+00, v5;
	v3 =	vadd.f32 v3, v3  }
0x67: {  	v6 =	vmul.f32 $1.442695020e+00, v6;
	v4 =	vadd.f32 v4, v4  }
0x68: {  	v3 =	vmul.f32 $1.442695020e+00, v3;
	(erf) = vpow2.f32 v5  }
0x69: {  	v4 =	vmul.f32 $1.442695020e+00, v4;
	(erf) = vpow2.f32 v6  }
0x6a: {  	(erf) = vpow2.f32 v3  }
0x6b: {  	(erf) = vpow2.f32 v4;
	_ =	sdelay $0x5  }
0x6c: {  	v3 =	vpop (erf)  }
0x6d: {  	v6 =	vadd.f32 $1.000000000e+00, v3;
	v4 =	vpop (erf)  }
0x6e: {  	v4 =	vadd.f32 $1.000000000e+00, v4;
	v5 =	vpop (erf)  }
0x6f: {  	v5 =	vadd.f32 $1.000000000e+00, v5;
	(erf) = vrcp.f32 v6;
	v3 =	vpop (erf)  }
0x70: {  	v3 =	vadd.f32 $1.000000000e+00, v3;
	(erf) = vrcp.f32 v4  }
0x71: {  	(erf) = vrcp.f32 v5  }
0x72: {  	(erf) = vrcp.f32 v3;
	_ =	sdelay $0x5  }
0x73: {  	v3 =	vpop (erf)  }
0x74: {  	v3 =	vadd.f32 v3, v3;
	v4 =	vpop (erf)  }
0x75: {  	v5 =	vadd.f32 v4, v4;
	v4 =	vpop (erf)  }
0x76: {  	v4 =	vadd.f32 v4, v4;
	v6 =	vpop (erf)  }
0x77: {  	v7 =	vadd.f32 v6, v6  }
.Ltmp0:
0x78: {  	v6 =	vsub.f32 $1.000000000e+00, v3;
	v4 =	vsub.f32 $1.000000000e+00, v4;
	(pc) =	sbr.rel @p0 .LBB2_3-.Ltmp0, $4  }
0x79: {  	v5 =	vsub.f32 $1.000000000e+00, v5;
	v3 =	vsub.f32 $1.000000000e+00, v7  }
0x7a: {  	v7 =	vmul.f32 v4, v6  }
0x7b: {  	v8 =	vmul.f32 v3, v5  }
0x7c: {  	v7 =	vsub.f32 $0.0e+00, v7  }
0x7d: {  	_ = 	snop  }
0x7e: {  	v8 =	vsub.f32 $0.0e+00, v8  }
0x7f: {  	v6 =	vmul.f32 v6, v6;
	v61 =	vadd.s32 $0x2710, v0;
	[tilespmem:s22+$0x14880] =	vst v7  }
0x80: {  	v5 =	vmul.f32 v5, v5;
	[tilespmem:s22+$0x15050] =	vst v8  }
0x81: {  	v62 =	vmul.f32 v4, v4;
	s21 =	sshll.u32 s21, $0xF;
	[tilespmem:v1+s12+$0x0] =	vst.idx.add.f32.msk $0xffff, v6  }
0x82: {  	v63 =	vmul.f32 v3, v3;
	s19 =	sadd.s32 $0x1, s19;
	s20 =	sor.u32 s20, s21;
	[tilespmem:v2+s12+$0x0] =	vst.idx.add.f32.msk $0xffff, v5  }
0x83: {  	p0 =	sne.s32 s19, $0x5;
	s20 =	sshrl.u32 s20, $0x3;
	[tilespmem:v0+s12+$0x0] =	vst.idx.add.f32.msk $0xffff, v62  }
.Ltmp1:
0x84: {  	s20 =	sadd.s32 s2, s20;
	[tilespmem:v61+s12+$0x0] =	vst.idx.add.f32.msk $0xffff, v63;
	(pc) =	sbr.rel @p0 .LBB2_2-.Ltmp1, $4  }
0x85: {  	[hbm4b:s20+s13] =	stream.strided.scatter [tilespmem:s17], [sflag:$0x1], $0x1000, s14, s13, $0x38;
	[tilespmem:$0x1A700] =	vst v63  }
0x86: {  	_ =	swait.ge [sflag:s11], $0x1000  }
0x87: {  	[sflag:s11] =	ssyncset.done $0x0  }
0x88: {  	[sflag:s11] =	ssyncadd.s32 $0xFFFFF000  }
0x89: {  	s18 =	sadd.s32 $0x1, s18  }
0x8a: {  	p0 =	sne.s32 s18, s10  }
.Ltmp2:
0x8b: {  	_ = 	snop;
	(pc) =	sbr.rel @p0 .LBB2_1-.Ltmp2, $4  }
0x8c: {  	[hbm4b:s9+s13] =	stream.strided.scatter [tilespmem:s12], [sflag:$0x1], $0x4E80, s14, s13, $0x38;
	[tilespmem:$0x1A700] =	vst v63  }
0x8d: {  	_ =	swait.ge [sflag:s11], $0x4E80  }
0x8e: {  	[sflag:s11] =	ssyncset.done $0x0  }
0x8f: {  	[sflag:s11] =	ssyncadd.s32 $0xFFFFB180  }
0x90: {  	_ =	sfence.sel $0x180000  }
0x91: {  	[bflag:$0x0] =	sbarrier.arrive $0xFFFF  }
0x92: {  	p0 =	sne.s32 s0, $0x0;
	_ =	strace $0x90000047  }
0x93: {  	s0 =	sadd.s32 @!p0 $0x100000, s1;
	[bflag:$0x2] =	sbarrier.arrive $0xFFFF  }
0x94: {  	[sflag:s0] =	ssyncadd.tile.s32 @!p0 $0x1;
	_ =	shalt  }
.Lfunc_end2:
_tile_overlayer_lowered:
.L_overlay_start_2:
0x95: {  	(tag) =	ssettag $0x2  }
0x96: {  	s0 =	rddreg [dreg:$0x0];
	s2 =	stileid.u32  }
0x97: {  	s1 =	rddreg [dreg:$0x1];
	p0 =	sne.s32 s2, $0x0  }
0x98: {  	s3 =	rddreg [dreg:$0x2];
	[bflag:$0x3] =	sbarrier.arrive $0xFFFF;
	s2 =	simm.s32 @!p0 $0x1C01  }
0x99: {  	[timem:s3], [sflag:s2] =	dma.local @!p0 [hbm:s0], s1  }
0x9a: {  	s0 =	simm.s32 @!p0 $0x1  }
0x9b: {  	_ =	swait.ge @!p0 [sflag:s0], s1  }
0x9c: {  	s1 =	ssub.s32 @!p0 $0x0, s1;
	[sflag:s0] =	ssyncset.done @!p0 $0x0  }
0x9d: {  	[sflag:s0] =	ssyncadd.s32 @!p0 s1  }
0x9e: {  	[bflag:$0x3] =	sbarrier.arrive $0xFFFF  }
0x9f: {  	_ =	shalt  }

</sc_bundles>
